<compile_context>
chip_gen: v7x
topology: tpu7x:2x2x1
jax: 0.10.2.dev20260603
libtpu: 0.0.44.dev20260713+nightly
codegen_flags: <defaults>
</compile_context>

<pallas_src>
import functools

import jax
import jax.numpy as jnp
from jax import lax
from jax.experimental import pallas as pl
from jax.experimental.pallas import tpu as pltpu
from jax.experimental.pallas import tpu_sc as plsc

D_MODEL = 128
SEQ = 50
LANES = 16
NUM_WORKERS = 32
CHUNK = 128
NBUF = 5


def _positional_encoding(seq, d_model):
    pos = jnp.arange(seq, dtype=jnp.float32)[:, None]
    i = jnp.arange(0, d_model, 2, dtype=jnp.float32)
    div = jnp.exp(-i * (jnp.log(10000.0) / d_model))
    ang = pos * div
    pe = jnp.zeros((seq, d_model), dtype=jnp.float32)
    pe = pe.at[:, 0::2].set(jnp.sin(ang))
    pe = pe.at[:, 1::2].set(jnp.cos(ang))
    return pe


def _make_sc_kernel(batch, chunks_per_plane, chunks_per_w):
    mesh = plsc.VectorSubcoreMesh(core_axis_name="c", subcore_axis_name="s")
    n_dreg = D_MODEL // LANES
    assert chunks_per_w % NBUF == 0

    @functools.partial(
        pl.kernel,
        mesh=mesh,
        out_type=jax.ShapeDtypeStruct((SEQ, batch, D_MODEL), jnp.float32),
        scratch_types=[
            pltpu.VMEM((SEQ, D_MODEL), jnp.float32),
        ]
        + [pltpu.VMEM((CHUNK,), jnp.int32) for _ in range(NBUF)]
        + [pltpu.VMEM((CHUNK, D_MODEL), jnp.float32) for _ in range(NBUF)]
        + [pltpu.SemaphoreType.DMA for _ in range(3 * NBUF)],
    )
    def sc_embed(x_hbm, tab_hbm, pe_hbm, out_hbm, pe_v, *bufs_sems):
        ibufs = bufs_sems[:NBUF]
        bufs = bufs_sems[NBUF:2 * NBUF]
        isem = bufs_sems[2 * NBUF:3 * NBUF]
        gsem = bufs_sems[3 * NBUF:4 * NBUF]
        ssem = bufs_sems[4 * NBUF:]
        cid = lax.axis_index("c")
        sid = lax.axis_index("s")
        w = sid * 2 + cid
        pltpu.sync_copy(pe_hbm, pe_v)
        gc0 = w * chunks_per_w

        def start_idx(b, c):
            pltpu.async_copy(x_hbm.at[w, c], ibufs[b], isem[b])

        def wait_idx(b):
            pltpu.make_async_copy(x_hbm.at[w, 0], ibufs[b], isem[b]).wait()

        def start_gather(b):
            pltpu.async_copy(tab_hbm.at[ibufs[b]], bufs[b], gsem[b])

        def wait_gather(b):
            pltpu.make_async_copy(tab_hbm.at[ibufs[b]], bufs[b],
                                  gsem[b]).wait()

        def start_scatter(b, c):
            gc = gc0 + c
            s = lax.div(gc, chunks_per_plane)
            j = lax.rem(gc, chunks_per_plane)
            pltpu.async_copy(bufs[b], out_hbm.at[s, pl.ds(j * CHUNK, CHUNK)],
                             ssem[b])

        def wait_scatter(b):
            pltpu.make_async_copy(bufs[b], out_hbm.at[0, pl.ds(0, CHUNK)],
                                  ssem[b]).wait()

        for b in range(NBUF):
            start_idx(b, b)
        for b in range(NBUF - 1):
            wait_idx(b)
            start_gather(b)

        def outer_body(g, carry):
            for b in range(NBUF):
                c = g * NBUF + b
                nb = (b + NBUF - 1) % NBUF
                @pl.when(c >= 1)
                def _():
                    wait_scatter(nb)

                @pl.when(c + NBUF - 1 < chunks_per_w)
                def _():
                    wait_idx(nb)
                    start_gather(nb)

                wait_gather(b)

                @pl.when(c + NBUF < chunks_per_w)
                def _():
                    start_idx(b, c + NBUF)

                s = lax.div(gc0 + c, chunks_per_plane)
                pe_regs = [pe_v[s, pl.ds(d * LANES, LANES)]
                           for d in range(n_dreg)]

                def pe_body(r2, carry2):
                    for u in range(2):
                        r = r2 * 2 + u
                        for d in range(n_dreg):
                            sl = pl.ds(d * LANES, LANES)
                            plsc.addupdate(bufs[b].at[r, sl], pe_regs[d])
                    return carry2

                lax.fori_loop(0, CHUNK // 2, pe_body, 0)
                start_scatter(b, c)
            return carry

        lax.fori_loop(0, chunks_per_w // NBUF, outer_body, 0)
        wait_scatter((chunks_per_w - 1) % NBUF)

    return sc_embed


def kernel(x, tok_table):
    batch, seq = x.shape
    assert seq == SEQ
    assert batch % CHUNK == 0
    chunks_per_plane = batch // CHUNK
    total_chunks = seq * chunks_per_plane
    assert total_chunks % NUM_WORKERS == 0
    chunks_per_w = total_chunks // NUM_WORKERS
    x_flat = x.astype(jnp.int32).T.reshape(NUM_WORKERS, chunks_per_w, CHUNK)
    pe = _positional_encoding(SEQ, D_MODEL)
    sc_embed = _make_sc_kernel(batch, chunks_per_plane, chunks_per_w)
    out_sbd = sc_embed(x_flat, tok_table, pe)
    return out_sbd.transpose(1, 0, 2)

# --- scband reference (transcript-rebuilt; emitter-appended) ---
"""Pipeline reference for scband-transformer-embedding-12859132084782 (READ-ONLY COPY).

The authoritative reference and input builder live on the scoring server;
editing this copy changes nothing except your own understanding.
"""

import jax, jax.numpy as jnp
import numpy as np

VOCAB = 1000000
D_MODEL = 128
MAX_LEN = 50
BATCH = 4096
SEQ = 50


def sinusoid_pe(max_len, d_model):
    pos = jnp.arange(max_len, dtype=jnp.float32)[:, None]
    i = jnp.arange(0, d_model, 2, dtype=jnp.float32)
    div = jnp.exp(-i * (jnp.log(10000.0) / d_model))
    ang = pos * div
    pe = jnp.zeros((max_len, d_model), dtype=jnp.float32)
    pe = pe.at[:, 0::2].set(jnp.sin(ang))
    pe = pe.at[:, 1::2].set(jnp.cos(ang))
    return pe


def setup_inputs(seed: int = 0) -> dict:
    key = jax.random.key(seed)
    k1, k2 = jax.random.split(key)
    x = jax.random.randint(k1, (BATCH, SEQ), 0, VOCAB, dtype=jnp.int64 if jax.config.jax_enable_x64 else jnp.int32)
    tok_table = jax.random.normal(k2, (VOCAB, D_MODEL), dtype=jnp.float32) * 0.02
    return {"x": x, "tok_table": tok_table}


def reference(x, tok_table):
    # token embedding: gather rows from the table
    tok_emb = jnp.take(tok_table, x, axis=0)  # [B, S, D]
    # sinusoidal positional encoding (non-learned, constant w.r.t. params)
    pe = sinusoid_pe(MAX_LEN, D_MODEL)  # [MAX_LEN, D]
    seq_len = x.shape[1]
    pos_emb = pe[:seq_len][None, :, :]  # [1, S, D]
    out = tok_emb + pos_emb
    # dropout is identity in eval mode
    return out

if __name__ == "__main__":
    import jax
    _d = setup_inputs()
    print(jax.jit(kernel)(*tuple(_d.values())))

</pallas_src>

<mosaic_0001>
#map = affine_map<(d0, d1) -> (0, 0, 0)>
#map1 = affine_map<(d0, d1) -> (0, 0)>
module attributes {stable_mosaic.version = 14 : i64} {
  func.func @sc_embed(%arg0: i32, %arg1: i32, %arg2: memref<32x50x128xi32, #tpu.memory_space<hbm>>, %arg3: memref<1000000x128xf32, #tpu.memory_space<hbm>>, %arg4: memref<50x128xf32, #tpu.memory_space<hbm>>, %arg5: memref<50x4096x128xf32, #tpu.memory_space<hbm>>, %arg6: memref<50x128xf32, #tpu.memory_space<vmem>>, %arg7: memref<128xi32, #tpu.memory_space<vmem>>, %arg8: memref<128xi32, #tpu.memory_space<vmem>>, %arg9: memref<128xi32, #tpu.memory_space<vmem>>, %arg10: memref<128xi32, #tpu.memory_space<vmem>>, %arg11: memref<128xi32, #tpu.memory_space<vmem>>, %arg12: memref<128x128xf32, #tpu.memory_space<vmem>>, %arg13: memref<128x128xf32, #tpu.memory_space<vmem>>, %arg14: memref<128x128xf32, #tpu.memory_space<vmem>>, %arg15: memref<128x128xf32, #tpu.memory_space<vmem>>, %arg16: memref<128x128xf32, #tpu.memory_space<vmem>>, %arg17: memref<!tpu.dma_semaphore, #tpu.memory_space<semaphore_mem>>, %arg18: memref<!tpu.dma_semaphore, #tpu.memory_space<semaphore_mem>>, %arg19: memref<!tpu.dma_semaphore, #tpu.memory_space<semaphore_mem>>, %arg20: memref<!tpu.dma_semaphore, #tpu.memory_space<semaphore_mem>>, %arg21: memref<!tpu.dma_semaphore, #tpu.memory_space<semaphore_mem>>, %arg22: memref<!tpu.dma_semaphore, #tpu.memory_space<semaphore_mem>>, %arg23: memref<!tpu.dma_semaphore, #tpu.memory_space<semaphore_mem>>, %arg24: memref<!tpu.dma_semaphore, #tpu.memory_space<semaphore_mem>>, %arg25: memref<!tpu.dma_semaphore, #tpu.memory_space<semaphore_mem>>, %arg26: memref<!tpu.dma_semaphore, #tpu.memory_space<semaphore_mem>>, %arg27: memref<!tpu.dma_semaphore, #tpu.memory_space<semaphore_mem>>, %arg28: memref<!tpu.dma_semaphore, #tpu.memory_space<semaphore_mem>>, %arg29: memref<!tpu.dma_semaphore, #tpu.memory_space<semaphore_mem>>, %arg30: memref<!tpu.dma_semaphore, #tpu.memory_space<semaphore_mem>>, %arg31: memref<!tpu.dma_semaphore, #tpu.memory_space<semaphore_mem>>) attributes {dimension_semantics = [#tpu.dimension_semantics<core_parallel>, #tpu.dimension_semantics<subcore_parallel>], iteration_bounds = array<i64: 2, 16>, scalar_prefetch = 0 : i64, scratch_operands = 26 : i64, tpu.core_type = #tpu.core_type<sc_vector_subcore>, window_params = [{transform_indices = #map}, {transform_indices = #map1}, {transform_indices = #map1}, {transform_indices = #map}]} {
    %mul3A = arith.constant 2 : i32
    %mul3A_0 = arith.muli %arg1, %mul3A : i32
    %add3A = arith.addi %mul3A_0, %arg0 : i32
    "tpu.region"() ({
      %run_scoped3A = tpu.sem_alloc : memref<!tpu.dma_semaphore, #tpu.memory_space<semaphore_mem>>
      tpu.enqueue_dma source(%arg4 : memref<50x128xf32, #tpu.memory_space<hbm>>) target(%arg6 : memref<50x128xf32, #tpu.memory_space<vmem>>) target_semaphore(%run_scoped3A : memref<!tpu.dma_semaphore, #tpu.memory_space<semaphore_mem>>)
      tpu.wait_dma2 semaphore(%run_scoped3A : memref<!tpu.dma_semaphore, #tpu.memory_space<semaphore_mem>>) src(%arg4 : memref<50x128xf32, #tpu.memory_space<hbm>>) dst(%arg6 : memref<50x128xf32, #tpu.memory_space<vmem>>)
      tpu.yield
    }) : () -> ()
    %mul3A_1 = arith.constant 50 : i32
    %mul3A_2 = arith.muli %add3A, %mul3A_1 : i32
    %dma_start3A = arith.constant 0 : i32
    %dma_start3A_3 = arith.constant 0 : i32
    %dma_start3A_4 = tpu.memref_slice %arg2[%add3A, %dma_start3A, %dma_start3A_3] : memref<32x50x128xi32, #tpu.memory_space<hbm>> -> memref<1x1x128xi32, #tpu.memory_space<hbm>>
    %dma_start3A_5 = tpu.memref_squeeze %dma_start3A_4 : memref<1x1x128xi32, #tpu.memory_space<hbm>> -> memref<128xi32, #tpu.memory_space<hbm>>
    %dma_start3A_6 = arith.constant 0 : i32
    %dma_start3A_7 = tpu.memref_slice %arg2[%add3A, %dma_start3A, %dma_start3A_6] : memref<32x50x128xi32, #tpu.memory_space<hbm>> -> memref<1x1x128xi32, #tpu.memory_space<hbm>>
    %dma_start3A_8 = tpu.memref_squeeze %dma_start3A_7 : memref<1x1x128xi32, #tpu.memory_space<hbm>> -> memref<128xi32, #tpu.memory_space<hbm>>
    tpu.enqueue_dma source(%dma_start3A_8 : memref<128xi32, #tpu.memory_space<hbm>>) target(%arg7 : memref<128xi32, #tpu.memory_space<vmem>>) target_semaphore(%arg17 : memref<!tpu.dma_semaphore, #tpu.memory_space<semaphore_mem>>)
    %dma_start3A_9 = arith.constant 1 : i32
    %dma_start3A_10 = arith.constant 0 : i32
    %dma_start3A_11 = tpu.memref_slice %arg2[%add3A, %dma_start3A_9, %dma_start3A_10] : memref<32x50x128xi32, #tpu.memory_space<hbm>> -> memref<1x1x128xi32, #tpu.memory_space<hbm>>
    %dma_start3A_12 = tpu.memref_squeeze %dma_start3A_11 : memref<1x1x128xi32, #tpu.memory_space<hbm>> -> memref<128xi32, #tpu.memory_space<hbm>>
    %dma_start3A_13 = arith.constant 0 : i32
    %dma_start3A_14 = tpu.memref_slice %arg2[%add3A, %dma_start3A_9, %dma_start3A_13] : memref<32x50x128xi32, #tpu.memory_space<hbm>> -> memref<1x1x128xi32, #tpu.memory_space<hbm>>
    %dma_start3A_15 = tpu.memref_squeeze %dma_start3A_14 : memref<1x1x128xi32, #tpu.memory_space<hbm>> -> memref<128xi32, #tpu.memory_space<hbm>>
    tpu.enqueue_dma source(%dma_start3A_15 : memref<128xi32, #tpu.memory_space<hbm>>) target(%arg8 : memref<128xi32, #tpu.memory_space<vmem>>) target_semaphore(%arg18 : memref<!tpu.dma_semaphore, #tpu.memory_space<semaphore_mem>>)
    %dma_start3A_16 = arith.constant 2 : i32
    %dma_start3A_17 = arith.constant 0 : i32
    %dma_start3A_18 = tpu.memref_slice %arg2[%add3A, %dma_start3A_16, %dma_start3A_17] : memref<32x50x128xi32, #tpu.memory_space<hbm>> -> memref<1x1x128xi32, #tpu.memory_space<hbm>>
    %dma_start3A_19 = tpu.memref_squeeze %dma_start3A_18 : memref<1x1x128xi32, #tpu.memory_space<hbm>> -> memref<128xi32, #tpu.memory_space<hbm>>
    %dma_start3A_20 = arith.constant 0 : i32
    %dma_start3A_21 = tpu.memref_slice %arg2[%add3A, %dma_start3A_16, %dma_start3A_20] : memref<32x50x128xi32, #tpu.memory_space<hbm>> -> memref<1x1x128xi32, #tpu.memory_space<hbm>>
    %dma_start3A_22 = tpu.memref_squeeze %dma_start3A_21 : memref<1x1x128xi32, #tpu.memory_space<hbm>> -> memref<128xi32, #tpu.memory_space<hbm>>
    tpu.enqueue_dma source(%dma_start3A_22 : memref<128xi32, #tpu.memory_space<hbm>>) target(%arg9 : memref<128xi32, #tpu.memory_space<vmem>>) target_semaphore(%arg19 : memref<!tpu.dma_semaphore, #tpu.memory_space<semaphore_mem>>)
    %dma_start3A_23 = arith.constant 3 : i32
    %dma_start3A_24 = arith.constant 0 : i32
    %dma_start3A_25 = tpu.memref_slice %arg2[%add3A, %dma_start3A_23, %dma_start3A_24] : memref<32x50x128xi32, #tpu.memory_space<hbm>> -> memref<1x1x128xi32, #tpu.memory_space<hbm>>
    %dma_start3A_26 = tpu.memref_squeeze %dma_start3A_25 : memref<1x1x128xi32, #tpu.memory_space<hbm>> -> memref<128xi32, #tpu.memory_space<hbm>>
    %dma_start3A_27 = arith.constant 0 : i32
    %dma_start3A_28 = tpu.memref_slice %arg2[%add3A, %dma_start3A_23, %dma_start3A_27] : memref<32x50x128xi32, #tpu.memory_space<hbm>> -> memref<1x1x128xi32, #tpu.memory_space<hbm>>
    %dma_start3A_29 = tpu.memref_squeeze %dma_start3A_28 : memref<1x1x128xi32, #tpu.memory_space<hbm>> -> memref<128xi32, #tpu.memory_space<hbm>>
    tpu.enqueue_dma source(%dma_start3A_29 : memref<128xi32, #tpu.memory_space<hbm>>) target(%arg10 : memref<128xi32, #tpu.memory_space<vmem>>) target_semaphore(%arg20 : memref<!tpu.dma_semaphore, #tpu.memory_space<semaphore_mem>>)
    %dma_start3A_30 = arith.constant 4 : i32
    %dma_start3A_31 = arith.constant 0 : i32
    %dma_start3A_32 = tpu.memref_slice %arg2[%add3A, %dma_start3A_30, %dma_start3A_31] : memref<32x50x128xi32, #tpu.memory_space<hbm>> -> memref<1x1x128xi32, #tpu.memory_space<hbm>>
    %dma_start3A_33 = tpu.memref_squeeze %dma_start3A_32 : memref<1x1x128xi32, #tpu.memory_space<hbm>> -> memref<128xi32, #tpu.memory_space<hbm>>
    %dma_start3A_34 = arith.constant 0 : i32
    %dma_start3A_35 = tpu.memref_slice %arg2[%add3A, %dma_start3A_30, %dma_start3A_34] : memref<32x50x128xi32, #tpu.memory_space<hbm>> -> memref<1x1x128xi32, #tpu.memory_space<hbm>>
    %dma_start3A_36 = tpu.memref_squeeze %dma_start3A_35 : memref<1x1x128xi32, #tpu.memory_space<hbm>> -> memref<128xi32, #tpu.memory_space<hbm>>
    tpu.enqueue_dma source(%dma_start3A_36 : memref<128xi32, #tpu.memory_space<hbm>>) target(%arg11 : memref<128xi32, #tpu.memory_space<vmem>>) target_semaphore(%arg21 : memref<!tpu.dma_semaphore, #tpu.memory_space<semaphore_mem>>)
    %dma_wait3A = arith.constant 0 : i32
    %dma_wait3A_37 = arith.constant 0 : i32
    %dma_wait3A_38 = tpu.memref_slice %arg2[%add3A, %dma_wait3A, %dma_wait3A_37] : memref<32x50x128xi32, #tpu.memory_space<hbm>> -> memref<1x1x128xi32, #tpu.memory_space<hbm>>
    %dma_wait3A_39 = tpu.memref_squeeze %dma_wait3A_38 : memref<1x1x128xi32, #tpu.memory_space<hbm>> -> memref<128xi32, #tpu.memory_space<hbm>>
    %dma_wait3A_40 = arith.constant 0 : i32
    %dma_wait3A_41 = tpu.memref_slice %arg2[%add3A, %dma_wait3A, %dma_wait3A_40] : memref<32x50x128xi32, #tpu.memory_space<hbm>> -> memref<1x1x128xi32, #tpu.memory_space<hbm>>
    %dma_wait3A_42 = tpu.memref_squeeze %dma_wait3A_41 : memref<1x1x128xi32, #tpu.memory_space<hbm>> -> memref<128xi32, #tpu.memory_space<hbm>>
    tpu.wait_dma2 semaphore(%arg17 : memref<!tpu.dma_semaphore, #tpu.memory_space<semaphore_mem>>) src(%dma_wait3A_42 : memref<128xi32, #tpu.memory_space<hbm>>) dst(%arg7 : memref<128xi32, #tpu.memory_space<vmem>>)
    %dma_start3A_43 = arith.constant 0 : i32
    %dma_start3A_44 = arith.constant 0 : i32
    %dma_start3A_45 = tpu.memref_slice %arg3[%dma_start3A_43, %dma_start3A_44] : memref<1000000x128xf32, #tpu.memory_space<hbm>> -> memref<1000000x128xf32, #tpu.memory_space<hbm>>
    tpu.enqueue_indirect_dma source(%dma_start3A_45 : memref<1000000x128xf32, #tpu.memory_space<hbm>>) target(%arg12 : memref<128x128xf32, #tpu.memory_space<vmem>>) offsets(%arg7 : memref<128xi32, #tpu.memory_space<vmem>>) semaphore(%arg22 : memref<!tpu.dma_semaphore, #tpu.memory_space<semaphore_mem>>)
    %dma_wait3A_46 = arith.constant 0 : i32
    %dma_wait3A_47 = arith.constant 0 : i32
    %dma_wait3A_48 = tpu.memref_slice %arg2[%add3A, %dma_wait3A_46, %dma_wait3A_47] : memref<32x50x128xi32, #tpu.memory_space<hbm>> -> memref<1x1x128xi32, #tpu.memory_space<hbm>>
    %dma_wait3A_49 = tpu.memref_squeeze %dma_wait3A_48 : memref<1x1x128xi32, #tpu.memory_space<hbm>> -> memref<128xi32, #tpu.memory_space<hbm>>
    %dma_wait3A_50 = arith.constant 0 : i32
    %dma_wait3A_51 = tpu.memref_slice %arg2[%add3A, %dma_wait3A_46, %dma_wait3A_50] : memref<32x50x128xi32, #tpu.memory_space<hbm>> -> memref<1x1x128xi32, #tpu.memory_space<hbm>>
    %dma_wait3A_52 = tpu.memref_squeeze %dma_wait3A_51 : memref<1x1x128xi32, #tpu.memory_space<hbm>> -> memref<128xi32, #tpu.memory_space<hbm>>
    tpu.wait_dma2 semaphore(%arg18 : memref<!tpu.dma_semaphore, #tpu.memory_space<semaphore_mem>>) src(%dma_wait3A_52 : memref<128xi32, #tpu.memory_space<hbm>>) dst(%arg8 : memref<128xi32, #tpu.memory_space<vmem>>)
    %dma_start3A_53 = arith.constant 0 : i32
    %dma_start3A_54 = arith.constant 0 : i32
    %dma_start3A_55 = tpu.memref_slice %arg3[%dma_start3A_53, %dma_start3A_54] : memref<1000000x128xf32, #tpu.memory_space<hbm>> -> memref<1000000x128xf32, #tpu.memory_space<hbm>>
    tpu.enqueue_indirect_dma source(%dma_start3A_55 : memref<1000000x128xf32, #tpu.memory_space<hbm>>) target(%arg13 : memref<128x128xf32, #tpu.memory_space<vmem>>) offsets(%arg8 : memref<128xi32, #tpu.memory_space<vmem>>) semaphore(%arg23 : memref<!tpu.dma_semaphore, #tpu.memory_space<semaphore_mem>>)
    %dma_wait3A_56 = arith.constant 0 : i32
    %dma_wait3A_57 = arith.constant 0 : i32
    %dma_wait3A_58 = tpu.memref_slice %arg2[%add3A, %dma_wait3A_56, %dma_wait3A_57] : memref<32x50x128xi32, #tpu.memory_space<hbm>> -> memref<1x1x128xi32, #tpu.memory_space<hbm>>
    %dma_wait3A_59 = tpu.memref_squeeze %dma_wait3A_58 : memref<1x1x128xi32, #tpu.memory_space<hbm>> -> memref<128xi32, #tpu.memory_space<hbm>>
    %dma_wait3A_60 = arith.constant 0 : i32
    %dma_wait3A_61 = tpu.memref_slice %arg2[%add3A, %dma_wait3A_56, %dma_wait3A_60] : memref<32x50x128xi32, #tpu.memory_space<hbm>> -> memref<1x1x128xi32, #tpu.memory_space<hbm>>
    %dma_wait3A_62 = tpu.memref_squeeze %dma_wait3A_61 : memref<1x1x128xi32, #tpu.memory_space<hbm>> -> memref<128xi32, #tpu.memory_space<hbm>>
    tpu.wait_dma2 semaphore(%arg19 : memref<!tpu.dma_semaphore, #tpu.memory_space<semaphore_mem>>) src(%dma_wait3A_62 : memref<128xi32, #tpu.memory_space<hbm>>) dst(%arg9 : memref<128xi32, #tpu.memory_space<vmem>>)
    %dma_start3A_63 = arith.constant 0 : i32
    %dma_start3A_64 = arith.constant 0 : i32
    %dma_start3A_65 = tpu.memref_slice %arg3[%dma_start3A_63, %dma_start3A_64] : memref<1000000x128xf32, #tpu.memory_space<hbm>> -> memref<1000000x128xf32, #tpu.memory_space<hbm>>
    tpu.enqueue_indirect_dma source(%dma_start3A_65 : memref<1000000x128xf32, #tpu.memory_space<hbm>>) target(%arg14 : memref<128x128xf32, #tpu.memory_space<vmem>>) offsets(%arg9 : memref<128xi32, #tpu.memory_space<vmem>>) semaphore(%arg24 : memref<!tpu.dma_semaphore, #tpu.memory_space<semaphore_mem>>)
    %dma_wait3A_66 = arith.constant 0 : i32
    %dma_wait3A_67 = arith.constant 0 : i32
    %dma_wait3A_68 = tpu.memref_slice %arg2[%add3A, %dma_wait3A_66, %dma_wait3A_67] : memref<32x50x128xi32, #tpu.memory_space<hbm>> -> memref<1x1x128xi32, #tpu.memory_space<hbm>>
    %dma_wait3A_69 = tpu.memref_squeeze %dma_wait3A_68 : memref<1x1x128xi32, #tpu.memory_space<hbm>> -> memref<128xi32, #tpu.memory_space<hbm>>
    %dma_wait3A_70 = arith.constant 0 : i32
    %dma_wait3A_71 = tpu.memref_slice %arg2[%add3A, %dma_wait3A_66, %dma_wait3A_70] : memref<32x50x128xi32, #tpu.memory_space<hbm>> -> memref<1x1x128xi32, #tpu.memory_space<hbm>>
    %dma_wait3A_72 = tpu.memref_squeeze %dma_wait3A_71 : memref<1x1x128xi32, #tpu.memory_space<hbm>> -> memref<128xi32, #tpu.memory_space<hbm>>
    tpu.wait_dma2 semaphore(%arg20 : memref<!tpu.dma_semaphore, #tpu.memory_space<semaphore_mem>>) src(%dma_wait3A_72 : memref<128xi32, #tpu.memory_space<hbm>>) dst(%arg10 : memref<128xi32, #tpu.memory_space<vmem>>)
    %dma_start3A_73 = arith.constant 0 : i32
    %dma_start3A_74 = arith.constant 0 : i32
    %dma_start3A_75 = tpu.memref_slice %arg3[%dma_start3A_73, %dma_start3A_74] : memref<1000000x128xf32, #tpu.memory_space<hbm>> -> memref<1000000x128xf32, #tpu.memory_space<hbm>>
    tpu.enqueue_indirect_dma source(%dma_start3A_75 : memref<1000000x128xf32, #tpu.memory_space<hbm>>) target(%arg15 : memref<128x128xf32, #tpu.memory_space<vmem>>) offsets(%arg10 : memref<128xi32, #tpu.memory_space<vmem>>) semaphore(%arg25 : memref<!tpu.dma_semaphore, #tpu.memory_space<semaphore_mem>>)
    %scan3A = arith.constant 0 : i32
    %scan3A_76 = arith.constant 0 : i32
    %scan3A_77 = arith.constant 10 : i32
    %scan3A_78 = arith.addi %scan3A_76, %scan3A_77 : i32
    %scan3A_79 = arith.constant 1 : i32
    scf.for %scan3A_90 = %scan3A_76 to %scan3A_78 step %scan3A_79  : i32 {
      %mul3A_91 = arith.constant 5 : i32
      %mul3A_92 = arith.muli %scan3A_90, %mul3A_91 : i32
      %add3A_93 = arith.constant 0 : i32
      %add3A_94 = arith.addi %mul3A_92, %add3A_93 : i32
      %ge3A = arith.constant 1 : i32
      %ge3A_95 = arith.cmpi sge, %add3A_94, %ge3A : i32
      %convert_element_type3A = arith.extui %ge3A_95 : i1 to i32
      %cond3A = arith.constant 0 : i32
      %cond3A_96 = arith.cmpi ne, %convert_element_type3A, %cond3A : i32
      scf.if %cond3A_96 {
        %dma_wait3A_493 = arith.constant 0 : i32
        %dma_wait3A_494 = arith.constant 0 : i32
        %dma_wait3A_495 = arith.constant 0 : i32
        %dma_wait3A_496 = tpu.memref_slice %arg5[%dma_wait3A_493, %dma_wait3A_494, %dma_wait3A_495] : memref<50x4096x128xf32, #tpu.memory_space<hbm>> -> memref<1x128x128xf32, #tpu.memory_space<hbm>>
        %dma_wait3A_497 = tpu.memref_squeeze %dma_wait3A_496 : memref<1x128x128xf32, #tpu.memory_space<hbm>> -> memref<128x128xf32, #tpu.memory_space<hbm>>
        %dma_wait3A_498 = arith.constant 0 : i32
        %dma_wait3A_499 = arith.constant 0 : i32
        %dma_wait3A_500 = tpu.memref_slice %arg5[%dma_wait3A_493, %dma_wait3A_498, %dma_wait3A_499] : memref<50x4096x128xf32, #tpu.memory_space<hbm>> -> memref<1x128x128xf32, #tpu.memory_space<hbm>>
        %dma_wait3A_501 = tpu.memref_squeeze %dma_wait3A_500 : memref<1x128x128xf32, #tpu.memory_space<hbm>> -> memref<128x128xf32, #tpu.memory_space<hbm>>
        tpu.wait_dma2 semaphore(%arg31 : memref<!tpu.dma_semaphore, #tpu.memory_space<semaphore_mem>>) src(%arg16 : memref<128x128xf32, #tpu.memory_space<vmem>>) dst(%dma_wait3A_501 : memref<128x128xf32, #tpu.memory_space<hbm>>)
      } else {
      }
      %add3A_97 = arith.constant 5 : i32
      %add3A_98 = arith.addi %add3A_94, %add3A_97 : i32
      %sub3A = arith.constant 1 : i32
      %sub3A_99 = arith.subi %add3A_98, %sub3A : i32
      %lt3A = arith.constant 50 : i32
      %lt3A_100 = arith.cmpi slt, %sub3A_99, %lt3A : i32
      %convert_element_type3A_101 = arith.extui %lt3A_100 : i1 to i32
      %cond3A_102 = arith.constant 0 : i32
      %cond3A_103 = arith.cmpi ne, %convert_element_type3A_101, %cond3A_102 : i32
      scf.if %cond3A_103 {
        %dma_wait3A_493 = arith.constant 0 : i32
        %dma_wait3A_494 = arith.constant 0 : i32
        %dma_wait3A_495 = tpu.memref_slice %arg2[%add3A, %dma_wait3A_493, %dma_wait3A_494] : memref<32x50x128xi32, #tpu.memory_space<hbm>> -> memref<1x1x128xi32, #tpu.memory_space<hbm>>
        %dma_wait3A_496 = tpu.memref_squeeze %dma_wait3A_495 : memref<1x1x128xi32, #tpu.memory_space<hbm>> -> memref<128xi32, #tpu.memory_space<hbm>>
        %dma_wait3A_497 = arith.constant 0 : i32
        %dma_wait3A_498 = tpu.memref_slice %arg2[%add3A, %dma_wait3A_493, %dma_wait3A_497] : memref<32x50x128xi32, #tpu.memory_space<hbm>> -> memref<1x1x128xi32, #tpu.memory_space<hbm>>
        %dma_wait3A_499 = tpu.memref_squeeze %dma_wait3A_498 : memref<1x1x128xi32, #tpu.memory_space<hbm>> -> memref<128xi32, #tpu.memory_space<hbm>>
        tpu.wait_dma2 semaphore(%arg21 : memref<!tpu.dma_semaphore, #tpu.memory_space<semaphore_mem>>) src(%dma_wait3A_499 : memref<128xi32, #tpu.memory_space<hbm>>) dst(%arg11 : memref<128xi32, #tpu.memory_space<vmem>>)
        %dma_start3A_500 = arith.constant 0 : i32
        %dma_start3A_501 = arith.constant 0 : i32
        %dma_start3A_502 = tpu.memref_slice %arg3[%dma_start3A_500, %dma_start3A_501] : memref<1000000x128xf32, #tpu.memory_space<hbm>> -> memref<1000000x128xf32, #tpu.memory_space<hbm>>
        tpu.enqueue_indirect_dma source(%dma_start3A_502 : memref<1000000x128xf32, #tpu.memory_space<hbm>>) target(%arg16 : memref<128x128xf32, #tpu.memory_space<vmem>>) offsets(%arg11 : memref<128xi32, #tpu.memory_space<vmem>>) semaphore(%arg26 : memref<!tpu.dma_semaphore, #tpu.memory_space<semaphore_mem>>)
      } else {
      }
      %dma_wait3A_104 = arith.constant 0 : i32
      %dma_wait3A_105 = arith.constant 0 : i32
      %dma_wait3A_106 = tpu.memref_slice %arg3[%dma_wait3A_104, %dma_wait3A_105] : memref<1000000x128xf32, #tpu.memory_space<hbm>> -> memref<1000000x128xf32, #tpu.memory_space<hbm>>
      tpu.wait_indirect_dma semaphore(%arg22 : memref<!tpu.dma_semaphore, #tpu.memory_space<semaphore_mem>>) src(%dma_wait3A_106 : memref<1000000x128xf32, #tpu.memory_space<hbm>>) dst(%arg12 : memref<128x128xf32, #tpu.memory_space<vmem>>)
      %add3A_107 = arith.constant 5 : i32
      %add3A_108 = arith.addi %add3A_94, %add3A_107 : i32
      %lt3A_109 = arith.constant 50 : i32
      %lt3A_110 = arith.cmpi slt, %add3A_108, %lt3A_109 : i32
      %convert_element_type3A_111 = arith.extui %lt3A_110 : i1 to i32
      %cond3A_112 = arith.constant 0 : i32
      %cond3A_113 = arith.cmpi ne, %convert_element_type3A_111, %cond3A_112 : i32
      scf.if %cond3A_113 {
        %add3A_493 = arith.constant 5 : i32
        %add3A_494 = arith.addi %add3A_94, %add3A_493 : i32
        %dma_start3A_495 = arith.constant 0 : i32
        %dma_start3A_496 = tpu.memref_slice %arg2[%add3A, %add3A_494, %dma_start3A_495] : memref<32x50x128xi32, #tpu.memory_space<hbm>> -> memref<1x1x128xi32, #tpu.memory_space<hbm>>
        %dma_start3A_497 = tpu.memref_squeeze %dma_start3A_496 : memref<1x1x128xi32, #tpu.memory_space<hbm>> -> memref<128xi32, #tpu.memory_space<hbm>>
        %dma_start3A_498 = arith.constant 0 : i32
        %dma_start3A_499 = tpu.memref_slice %arg2[%add3A, %add3A_494, %dma_start3A_498] : memref<32x50x128xi32, #tpu.memory_space<hbm>> -> memref<1x1x128xi32, #tpu.memory_space<hbm>>
        %dma_start3A_500 = tpu.memref_squeeze %dma_start3A_499 : memref<1x1x128xi32, #tpu.memory_space<hbm>> -> memref<128xi32, #tpu.memory_space<hbm>>
        tpu.enqueue_dma source(%dma_start3A_500 : memref<128xi32, #tpu.memory_space<hbm>>) target(%arg7 : memref<128xi32, #tpu.memory_space<vmem>>) target_semaphore(%arg17 : memref<!tpu.dma_semaphore, #tpu.memory_space<semaphore_mem>>)
      } else {
      }
      %add3A_114 = arith.addi %mul3A_2, %add3A_94 : i32
      %div3A = arith.constant 32 : i32
      %div3A_115 = arith.divsi %add3A_114, %div3A : i32
      %get3A = arith.index_cast %div3A_115 : i32 to index
      %get3A_116 = arith.constant 0 : index
      %get3A_117 = tpu.vector_load %arg6[%get3A, %get3A_116] {strides = array<i32>} : memref<50x128xf32, #tpu.memory_space<vmem>>, vector<1x16xf32>,
      %get3A_118 = vector.shape_cast %get3A_117 : vector<1x16xf32> to vector<16xf32>
      %get3A_119 = arith.index_cast %div3A_115 : i32 to index
      %get3A_120 = arith.constant 16 : index
      %get3A_121 = tpu.vector_load %arg6[%get3A_119, %get3A_120] {strides = array<i32>} : memref<50x128xf32, #tpu.memory_space<vmem>>, vector<1x16xf32>,
      %get3A_122 = vector.shape_cast %get3A_121 : vector<1x16xf32> to vector<16xf32>
      %get3A_123 = arith.index_cast %div3A_115 : i32 to index
      %get3A_124 = arith.constant 32 : index
      %get3A_125 = tpu.vector_load %arg6[%get3A_123, %get3A_124] {strides = array<i32>} : memref<50x128xf32, #tpu.memory_space<vmem>>, vector<1x16xf32>,
      %get3A_126 = vector.shape_cast %get3A_125 : vector<1x16xf32> to vector<16xf32>
      %get3A_127 = arith.index_cast %div3A_115 : i32 to index
      %get3A_128 = arith.constant 48 : index
      %get3A_129 = tpu.vector_load %arg6[%get3A_127, %get3A_128] {strides = array<i32>} : memref<50x128xf32, #tpu.memory_space<vmem>>, vector<1x16xf32>,
      %get3A_130 = vector.shape_cast %get3A_129 : vector<1x16xf32> to vector<16xf32>
      %get3A_131 = arith.index_cast %div3A_115 : i32 to index
      %get3A_132 = arith.constant 64 : index
      %get3A_133 = tpu.vector_load %arg6[%get3A_131, %get3A_132] {strides = array<i32>} : memref<50x128xf32, #tpu.memory_space<vmem>>, vector<1x16xf32>,
      %get3A_134 = vector.shape_cast %get3A_133 : vector<1x16xf32> to vector<16xf32>
      %get3A_135 = arith.index_cast %div3A_115 : i32 to index
      %get3A_136 = arith.constant 80 : index
      %get3A_137 = tpu.vector_load %arg6[%get3A_135, %get3A_136] {strides = array<i32>} : memref<50x128xf32, #tpu.memory_space<vmem>>, vector<1x16xf32>,
      %get3A_138 = vector.shape_cast %get3A_137 : vector<1x16xf32> to vector<16xf32>
      %get3A_139 = arith.index_cast %div3A_115 : i32 to index
      %get3A_140 = arith.constant 96 : index
      %get3A_141 = tpu.vector_load %arg6[%get3A_139, %get3A_140] {strides = array<i32>} : memref<50x128xf32, #tpu.memory_space<vmem>>, vector<1x16xf32>,
      %get3A_142 = vector.shape_cast %get3A_141 : vector<1x16xf32> to vector<16xf32>
      %get3A_143 = arith.index_cast %div3A_115 : i32 to index
      %get3A_144 = arith.constant 112 : index
      %get3A_145 = tpu.vector_load %arg6[%get3A_143, %get3A_144] {strides = array<i32>} : memref<50x128xf32, #tpu.memory_space<vmem>>, vector<1x16xf32>,
      %get3A_146 = vector.shape_cast %get3A_145 : vector<1x16xf32> to vector<16xf32>
      %scan3A_147 = arith.constant 0 : i32
      %scan3A_148 = arith.constant 0 : i32
      %scan3A_149 = arith.constant 64 : i32
      %scan3A_150 = arith.addi %scan3A_148, %scan3A_149 : i32
      %scan3A_151 = arith.constant 1 : i32
      scf.for %scan3A_493 = %scan3A_148 to %scan3A_150 step %scan3A_151  : i32 {
        %mul3A_494 = arith.constant 2 : i32
        %mul3A_495 = arith.muli %scan3A_493, %mul3A_494 : i32
        %add3A_496 = arith.constant 0 : i32
        %add3A_497 = arith.addi %mul3A_495, %add3A_496 : i32
        %swap3A = arith.index_cast %add3A_497 : i32 to index
        %swap3A_498 = arith.constant 0 : index
        %swap3A_499 = tpu.vector_load %arg12[%swap3A, %swap3A_498] {strides = array<i32>} : memref<128x128xf32, #tpu.memory_space<vmem>>, vector<1x16xf32>,
        %swap3A_500 = vector.shape_cast %swap3A_499 : vector<1x16xf32> to vector<16xf32>
        %swap3A_501 = vector.shape_cast %get3A_118 : vector<16xf32> to vector<1x16xf32>
        tpu.vector_store %arg12[%swap3A, %swap3A_498], %swap3A_501 {add = true, strides = array<i32>} : memref<128x128xf32, #tpu.memory_space<vmem>>, vector<1x16xf32>,
        %swap3A_502 = arith.index_cast %add3A_497 : i32 to index
        %swap3A_503 = arith.constant 16 : index
        %swap3A_504 = tpu.vector_load %arg12[%swap3A_502, %swap3A_503] {strides = array<i32>} : memref<128x128xf32, #tpu.memory_space<vmem>>, vector<1x16xf32>,
        %swap3A_505 = vector.shape_cast %swap3A_504 : vector<1x16xf32> to vector<16xf32>
        %swap3A_506 = vector.shape_cast %get3A_122 : vector<16xf32> to vector<1x16xf32>
        tpu.vector_store %arg12[%swap3A_502, %swap3A_503], %swap3A_506 {add = true, strides = array<i32>} : memref<128x128xf32, #tpu.memory_space<vmem>>, vector<1x16xf32>,
        %swap3A_507 = arith.index_cast %add3A_497 : i32 to index
        %swap3A_508 = arith.constant 32 : index
        %swap3A_509 = tpu.vector_load %arg12[%swap3A_507, %swap3A_508] {strides = array<i32>} : memref<128x128xf32, #tpu.memory_space<vmem>>, vector<1x16xf32>,
        %swap3A_510 = vector.shape_cast %swap3A_509 : vector<1x16xf32> to vector<16xf32>
        %swap3A_511 = vector.shape_cast %get3A_126 : vector<16xf32> to vector<1x16xf32>
        tpu.vector_store %arg12[%swap3A_507, %swap3A_508], %swap3A_511 {add = true, strides = array<i32>} : memref<128x128xf32, #tpu.memory_space<vmem>>, vector<1x16xf32>,
        %swap3A_512 = arith.index_cast %add3A_497 : i32 to index
        %swap3A_513 = arith.constant 48 : index
        %swap3A_514 = tpu.vector_load %arg12[%swap3A_512, %swap3A_513] {strides = array<i32>} : memref<128x128xf32, #tpu.memory_space<vmem>>, vector<1x16xf32>,
        %swap3A_515 = vector.shape_cast %swap3A_514 : vector<1x16xf32> to vector<16xf32>
        %swap3A_516 = vector.shape_cast %get3A_130 : vector<16xf32> to vector<1x16xf32>
        tpu.vector_store %arg12[%swap3A_512, %swap3A_513], %swap3A_516 {add = true, strides = array<i32>} : memref<128x128xf32, #tpu.memory_space<vmem>>, vector<1x16xf32>,
        %swap3A_517 = arith.index_cast %add3A_497 : i32 to index
        %swap3A_518 = arith.constant 64 : index
        %swap3A_519 = tpu.vector_load %arg12[%swap3A_517, %swap3A_518] {strides = array<i32>} : memref<128x128xf32, #tpu.memory_space<vmem>>, vector<1x16xf32>,
        %swap3A_520 = vector.shape_cast %swap3A_519 : vector<1x16xf32> to vector<16xf32>
        %swap3A_521 = vector.shape_cast %get3A_134 : vector<16xf32> to vector<1x16xf32>
        tpu.vector_store %arg12[%swap3A_517, %swap3A_518], %swap3A_521 {add = true, strides = array<i32>} : memref<128x128xf32, #tpu.memory_space<vmem>>, vector<1x16xf32>,
        %swap3A_522 = arith.index_cast %add3A_497 : i32 to index
        %swap3A_523 = arith.constant 80 : index
        %swap3A_524 = tpu.vector_load %arg12[%swap3A_522, %swap3A_523] {strides = array<i32>} : memref<128x128xf32, #tpu.memory_space<vmem>>, vector<1x16xf32>,
        %swap3A_525 = vector.shape_cast %swap3A_524 : vector<1x16xf32> to vector<16xf32>
        %swap3A_526 = vector.shape_cast %get3A_138 : vector<16xf32> to vector<1x16xf32>
        tpu.vector_store %arg12[%swap3A_522, %swap3A_523], %swap3A_526 {add = true, strides = array<i32>} : memref<128x128xf32, #tpu.memory_space<vmem>>, vector<1x16xf32>,
        %swap3A_527 = arith.index_cast %add3A_497 : i32 to index
        %swap3A_528 = arith.constant 96 : index
        %swap3A_529 = tpu.vector_load %arg12[%swap3A_527, %swap3A_528] {strides = array<i32>} : memref<128x128xf32, #tpu.memory_space<vmem>>, vector<1x16xf32>,
        %swap3A_530 = vector.shape_cast %swap3A_529 : vector<1x16xf32> to vector<16xf32>
        %swap3A_531 = vector.shape_cast %get3A_142 : vector<16xf32> to vector<1x16xf32>
        tpu.vector_store %arg12[%swap3A_527, %swap3A_528], %swap3A_531 {add = true, strides = array<i32>} : memref<128x128xf32, #tpu.memory_space<vmem>>, vector<1x16xf32>,
        %swap3A_532 = arith.index_cast %add3A_497 : i32 to index
        %swap3A_533 = arith.constant 112 : index
        %swap3A_534 = tpu.vector_load %arg12[%swap3A_532, %swap3A_533] {strides = array<i32>} : memref<128x128xf32, #tpu.memory_space<vmem>>, vector<1x16xf32>,
        %swap3A_535 = vector.shape_cast %swap3A_534 : vector<1x16xf32> to vector<16xf32>
        %swap3A_536 = vector.shape_cast %get3A_146 : vector<16xf32> to vector<1x16xf32>
        tpu.vector_store %arg12[%swap3A_532, %swap3A_533], %swap3A_536 {add = true, strides = array<i32>} : memref<128x128xf32, #tpu.memory_space<vmem>>, vector<1x16xf32>,
        %mul3A_537 = arith.constant 2 : i32
        %mul3A_538 = arith.muli %scan3A_493, %mul3A_537 : i32
        %add3A_539 = arith.constant 1 : i32
        %add3A_540 = arith.addi %mul3A_538, %add3A_539 : i32
        %swap3A_541 = arith.index_cast %add3A_540 : i32 to index
        %swap3A_542 = arith.constant 0 : index
        %swap3A_543 = tpu.vector_load %arg12[%swap3A_541, %swap3A_542] {strides = array<i32>} : memref<128x128xf32, #tpu.memory_space<vmem>>, vector<1x16xf32>,
        %swap3A_544 = vector.shape_cast %swap3A_543 : vector<1x16xf32> to vector<16xf32>
        %swap3A_545 = vector.shape_cast %get3A_118 : vector<16xf32> to vector<1x16xf32>
        tpu.vector_store %arg12[%swap3A_541, %swap3A_542], %swap3A_545 {add = true, strides = array<i32>} : memref<128x128xf32, #tpu.memory_space<vmem>>, vector<1x16xf32>,
        %swap3A_546 = arith.index_cast %add3A_540 : i32 to index
        %swap3A_547 = arith.constant 16 : index
        %swap3A_548 = tpu.vector_load %arg12[%swap3A_546, %swap3A_547] {strides = array<i32>} : memref<128x128xf32, #tpu.memory_space<vmem>>, vector<1x16xf32>,
        %swap3A_549 = vector.shape_cast %swap3A_548 : vector<1x16xf32> to vector<16xf32>
        %swap3A_550 = vector.shape_cast %get3A_122 : vector<16xf32> to vector<1x16xf32>
        tpu.vector_store %arg12[%swap3A_546, %swap3A_547], %swap3A_550 {add = true, strides = array<i32>} : memref<128x128xf32, #tpu.memory_space<vmem>>, vector<1x16xf32>,
        %swap3A_551 = arith.index_cast %add3A_540 : i32 to index
        %swap3A_552 = arith.constant 32 : index
        %swap3A_553 = tpu.vector_load %arg12[%swap3A_551, %swap3A_552] {strides = array<i32>} : memref<128x128xf32, #tpu.memory_space<vmem>>, vector<1x16xf32>,
        %swap3A_554 = vector.shape_cast %swap3A_553 : vector<1x16xf32> to vector<16xf32>
        %swap3A_555 = vector.shape_cast %get3A_126 : vector<16xf32> to vector<1x16xf32>
        tpu.vector_store %arg12[%swap3A_551, %swap3A_552], %swap3A_555 {add = true, strides = array<i32>} : memref<128x128xf32, #tpu.memory_space<vmem>>, vector<1x16xf32>,
        %swap3A_556 = arith.index_cast %add3A_540 : i32 to index
        %swap3A_557 = arith.constant 48 : index
        %swap3A_558 = tpu.vector_load %arg12[%swap3A_556, %swap3A_557] {strides = array<i32>} : memref<128x128xf32, #tpu.memory_space<vmem>>, vector<1x16xf32>,
        %swap3A_559 = vector.shape_cast %swap3A_558 : vector<1x16xf32> to vector<16xf32>
        %swap3A_560 = vector.shape_cast %get3A_130 : vector<16xf32> to vector<1x16xf32>
        tpu.vector_store %arg12[%swap3A_556, %swap3A_557], %swap3A_560 {add = true, strides = array<i32>} : memref<128x128xf32, #tpu.memory_space<vmem>>, vector<1x16xf32>,
        %swap3A_561 = arith.index_cast %add3A_540 : i32 to index
        %swap3A_562 = arith.constant 64 : index
        %swap3A_563 = tpu.vector_load %arg12[%swap3A_561, %swap3A_562] {strides = array<i32>} : memref<128x128xf32, #tpu.memory_space<vmem>>, vector<1x16xf32>,
        %swap3A_564 = vector.shape_cast %swap3A_563 : vector<1x16xf32> to vector<16xf32>
        %swap3A_565 = vector.shape_cast %get3A_134 : vector<16xf32> to vector<1x16xf32>
        tpu.vector_store %arg12[%swap3A_561, %swap3A_562], %swap3A_565 {add = true, strides = array<i32>} : memref<128x128xf32, #tpu.memory_space<vmem>>, vector<1x16xf32>,
        %swap3A_566 = arith.index_cast %add3A_540 : i32 to index
        %swap3A_567 = arith.constant 80 : index
        %swap3A_568 = tpu.vector_load %arg12[%swap3A_566, %swap3A_567] {strides = array<i32>} : memref<128x128xf32, #tpu.memory_space<vmem>>, vector<1x16xf32>,
        %swap3A_569 = vector.shape_cast %swap3A_568 : vector<1x16xf32> to vector<16xf32>
        %swap3A_570 = vector.shape_cast %get3A_138 : vector<16xf32> to vector<1x16xf32>
        tpu.vector_store %arg12[%swap3A_566, %swap3A_567], %swap3A_570 {add = true, strides = array<i32>} : memref<128x128xf32, #tpu.memory_space<vmem>>, vector<1x16xf32>,
        %swap3A_571 = arith.index_cast %add3A_540 : i32 to index
        %swap3A_572 = arith.constant 96 : index
        %swap3A_573 = tpu.vector_load %arg12[%swap3A_571, %swap3A_572] {strides = array<i32>} : memref<128x128xf32, #tpu.memory_space<vmem>>, vector<1x16xf32>,
        %swap3A_574 = vector.shape_cast %swap3A_573 : vector<1x16xf32> to vector<16xf32>
        %swap3A_575 = vector.shape_cast %get3A_142 : vector<16xf32> to vector<1x16xf32>
        tpu.vector_store %arg12[%swap3A_571, %swap3A_572], %swap3A_575 {add = true, strides = array<i32>} : memref<128x128xf32, #tpu.memory_space<vmem>>, vector<1x16xf32>,
        %swap3A_576 = arith.index_cast %add3A_540 : i32 to index
        %swap3A_577 = arith.constant 112 : index
        %swap3A_578 = tpu.vector_load %arg12[%swap3A_576, %swap3A_577] {strides = array<i32>} : memref<128x128xf32, #tpu.memory_space<vmem>>, vector<1x16xf32>,
        %swap3A_579 = vector.shape_cast %swap3A_578 : vector<1x16xf32> to vector<16xf32>
        %swap3A_580 = vector.shape_cast %get3A_146 : vector<16xf32> to vector<1x16xf32>
        tpu.vector_store %arg12[%swap3A_576, %swap3A_577], %swap3A_580 {add = true, strides = array<i32>} : memref<128x128xf32, #tpu.memory_space<vmem>>, vector<1x16xf32>,
      }
      %scan3A_152 = arith.constant 64 : i32
      %add3A_153 = arith.addi %mul3A_2, %add3A_94 : i32
      %div3A_154 = arith.constant 32 : i32
      %div3A_155 = arith.divsi %add3A_153, %div3A_154 : i32
      %rem3A = arith.constant 32 : i32
      %rem3A_156 = arith.remsi %add3A_153, %rem3A : i32
      %mul3A_157 = arith.constant 128 : i32
      %mul3A_158 = arith.muli %rem3A_156, %mul3A_157 : i32
      %dma_start3A_159 = arith.constant 0 : i32
      %dma_start3A_160 = tpu.memref_slice %arg5[%div3A_155, %mul3A_158, %dma_start3A_159] : memref<50x4096x128xf32, #tpu.memory_space<hbm>> -> memref<1x128x128xf32, #tpu.memory_space<hbm>>
      %dma_start3A_161 = tpu.memref_squeeze %dma_start3A_160 : memref<1x128x128xf32, #tpu.memory_space<hbm>> -> memref<128x128xf32, #tpu.memory_space<hbm>>
      %dma_start3A_162 = arith.constant 0 : i32
      %dma_start3A_163 = tpu.memref_slice %arg5[%div3A_155, %mul3A_158, %dma_start3A_162] : memref<50x4096x128xf32, #tpu.memory_space<hbm>> -> memref<1x128x128xf32, #tpu.memory_space<hbm>>
      %dma_start3A_164 = tpu.memref_squeeze %dma_start3A_163 : memref<1x128x128xf32, #tpu.memory_space<hbm>> -> memref<128x128xf32, #tpu.memory_space<hbm>>
      tpu.enqueue_dma source(%arg12 : memref<128x128xf32, #tpu.memory_space<vmem>>) target(%dma_start3A_164 : memref<128x128xf32, #tpu.memory_space<hbm>>) target_semaphore(%arg27 : memref<!tpu.dma_semaphore, #tpu.memory_space<semaphore_mem>>)
      %mul3A_165 = arith.constant 5 : i32
      %mul3A_166 = arith.muli %scan3A_90, %mul3A_165 : i32
      %add3A_167 = arith.constant 1 : i32
      %add3A_168 = arith.addi %mul3A_166, %add3A_167 : i32
      %ge3A_169 = arith.constant 1 : i32
      %ge3A_170 = arith.cmpi sge, %add3A_168, %ge3A_169 : i32
      %convert_element_type3A_171 = arith.extui %ge3A_170 : i1 to i32
      %cond3A_172 = arith.constant 0 : i32
      %cond3A_173 = arith.cmpi ne, %convert_element_type3A_171, %cond3A_172 : i32
      scf.if %cond3A_173 {
        %dma_wait3A_493 = arith.constant 0 : i32
        %dma_wait3A_494 = arith.constant 0 : i32
        %dma_wait3A_495 = arith.constant 0 : i32
        %dma_wait3A_496 = tpu.memref_slice %arg5[%dma_wait3A_493, %dma_wait3A_494, %dma_wait3A_495] : memref<50x4096x128xf32, #tpu.memory_space<hbm>> -> memref<1x128x128xf32, #tpu.memory_space<hbm>>
        %dma_wait3A_497 = tpu.memref_squeeze %dma_wait3A_496 : memref<1x128x128xf32, #tpu.memory_space<hbm>> -> memref<128x128xf32, #tpu.memory_space<hbm>>
        %dma_wait3A_498 = arith.constant 0 : i32
        %dma_wait3A_499 = arith.constant 0 : i32
        %dma_wait3A_500 = tpu.memref_slice %arg5[%dma_wait3A_493, %dma_wait3A_498, %dma_wait3A_499] : memref<50x4096x128xf32, #tpu.memory_space<hbm>> -> memref<1x128x128xf32, #tpu.memory_space<hbm>>
        %dma_wait3A_501 = tpu.memref_squeeze %dma_wait3A_500 : memref<1x128x128xf32, #tpu.memory_space<hbm>> -> memref<128x128xf32, #tpu.memory_space<hbm>>
        tpu.wait_dma2 semaphore(%arg27 : memref<!tpu.dma_semaphore, #tpu.memory_space<semaphore_mem>>) src(%arg12 : memref<128x128xf32, #tpu.memory_space<vmem>>) dst(%dma_wait3A_501 : memref<128x128xf32, #tpu.memory_space<hbm>>)
      } else {
      }
      %add3A_174 = arith.constant 5 : i32
      %add3A_175 = arith.addi %add3A_168, %add3A_174 : i32
      %sub3A_176 = arith.constant 1 : i32
      %sub3A_177 = arith.subi %add3A_175, %sub3A_176 : i32
      %lt3A_178 = arith.constant 50 : i32
      %lt3A_179 = arith.cmpi slt, %sub3A_177, %lt3A_178 : i32
      %convert_element_type3A_180 = arith.extui %lt3A_179 : i1 to i32
      %cond3A_181 = arith.constant 0 : i32
      %cond3A_182 = arith.cmpi ne, %convert_element_type3A_180, %cond3A_181 : i32
      scf.if %cond3A_182 {
        %dma_wait3A_493 = arith.constant 0 : i32
        %dma_wait3A_494 = arith.constant 0 : i32
        %dma_wait3A_495 = tpu.memref_slice %arg2[%add3A, %dma_wait3A_493, %dma_wait3A_494] : memref<32x50x128xi32, #tpu.memory_space<hbm>> -> memref<1x1x128xi32, #tpu.memory_space<hbm>>
        %dma_wait3A_496 = tpu.memref_squeeze %dma_wait3A_495 : memref<1x1x128xi32, #tpu.memory_space<hbm>> -> memref<128xi32, #tpu.memory_space<hbm>>
        %dma_wait3A_497 = arith.constant 0 : i32
        %dma_wait3A_498 = tpu.memref_slice %arg2[%add3A, %dma_wait3A_493, %dma_wait3A_497] : memref<32x50x128xi32, #tpu.memory_space<hbm>> -> memref<1x1x128xi32, #tpu.memory_space<hbm>>
        %dma_wait3A_499 = tpu.memref_squeeze %dma_wait3A_498 : memref<1x1x128xi32, #tpu.memory_space<hbm>> -> memref<128xi32, #tpu.memory_space<hbm>>
        tpu.wait_dma2 semaphore(%arg17 : memref<!tpu.dma_semaphore, #tpu.memory_space<semaphore_mem>>) src(%dma_wait3A_499 : memref<128xi32, #tpu.memory_space<hbm>>) dst(%arg7 : memref<128xi32, #tpu.memory_space<vmem>>)
        %dma_start3A_500 = arith.constant 0 : i32
        %dma_start3A_501 = arith.constant 0 : i32
        %dma_start3A_502 = tpu.memref_slice %arg3[%dma_start3A_500, %dma_start3A_501] : memref<1000000x128xf32, #tpu.memory_space<hbm>> -> memref<1000000x128xf32, #tpu.memory_space<hbm>>
        tpu.enqueue_indirect_dma source(%dma_start3A_502 : memref<1000000x128xf32, #tpu.memory_space<hbm>>) target(%arg12 : memref<128x128xf32, #tpu.memory_space<vmem>>) offsets(%arg7 : memref<128xi32, #tpu.memory_space<vmem>>) semaphore(%arg22 : memref<!tpu.dma_semaphore, #tpu.memory_space<semaphore_mem>>)
      } else {
      }
      %dma_wait3A_183 = arith.constant 0 : i32
      %dma_wait3A_184 = arith.constant 0 : i32
      %dma_wait3A_185 = tpu.memref_slice %arg3[%dma_wait3A_183, %dma_wait3A_184] : memref<1000000x128xf32, #tpu.memory_space<hbm>> -> memref<1000000x128xf32, #tpu.memory_space<hbm>>
      tpu.wait_indirect_dma semaphore(%arg23 : memref<!tpu.dma_semaphore, #tpu.memory_space<semaphore_mem>>) src(%dma_wait3A_185 : memref<1000000x128xf32, #tpu.memory_space<hbm>>) dst(%arg13 : memref<128x128xf32, #tpu.memory_space<vmem>>)
      %add3A_186 = arith.constant 5 : i32
      %add3A_187 = arith.addi %add3A_168, %add3A_186 : i32
      %lt3A_188 = arith.constant 50 : i32
      %lt3A_189 = arith.cmpi slt, %add3A_187, %lt3A_188 : i32
      %convert_element_type3A_190 = arith.extui %lt3A_189 : i1 to i32
      %cond3A_191 = arith.constant 0 : i32
      %cond3A_192 = arith.cmpi ne, %convert_element_type3A_190, %cond3A_191 : i32
      scf.if %cond3A_192 {
        %add3A_493 = arith.constant 5 : i32
        %add3A_494 = arith.addi %add3A_168, %add3A_493 : i32
        %dma_start3A_495 = arith.constant 0 : i32
        %dma_start3A_496 = tpu.memref_slice %arg2[%add3A, %add3A_494, %dma_start3A_495] : memref<32x50x128xi32, #tpu.memory_space<hbm>> -> memref<1x1x128xi32, #tpu.memory_space<hbm>>
        %dma_start3A_497 = tpu.memref_squeeze %dma_start3A_496 : memref<1x1x128xi32, #tpu.memory_space<hbm>> -> memref<128xi32, #tpu.memory_space<hbm>>
        %dma_start3A_498 = arith.constant 0 : i32
        %dma_start3A_499 = tpu.memref_slice %arg2[%add3A, %add3A_494, %dma_start3A_498] : memref<32x50x128xi32, #tpu.memory_space<hbm>> -> memref<1x1x128xi32, #tpu.memory_space<hbm>>
        %dma_start3A_500 = tpu.memref_squeeze %dma_start3A_499 : memref<1x1x128xi32, #tpu.memory_space<hbm>> -> memref<128xi32, #tpu.memory_space<hbm>>
        tpu.enqueue_dma source(%dma_start3A_500 : memref<128xi32, #tpu.memory_space<hbm>>) target(%arg8 : memref<128xi32, #tpu.memory_space<vmem>>) target_semaphore(%arg18 : memref<!tpu.dma_semaphore, #tpu.memory_space<semaphore_mem>>)
      } else {
      }
      %add3A_193 = arith.addi %mul3A_2, %add3A_168 : i32
      %div3A_194 = arith.constant 32 : i32
      %div3A_195 = arith.divsi %add3A_193, %div3A_194 : i32
      %get3A_196 = arith.index_cast %div3A_195 : i32 to index
      %get3A_197 = arith.constant 0 : index
      %get3A_198 = tpu.vector_load %arg6[%get3A_196, %get3A_197] {strides = array<i32>} : memref<50x128xf32, #tpu.memory_space<vmem>>, vector<1x16xf32>,
      %get3A_199 = vector.shape_cast %get3A_198 : vector<1x16xf32> to vector<16xf32>
      %get3A_200 = arith.index_cast %div3A_195 : i32 to index
      %get3A_201 = arith.constant 16 : index
      %get3A_202 = tpu.vector_load %arg6[%get3A_200, %get3A_201] {strides = array<i32>} : memref<50x128xf32, #tpu.memory_space<vmem>>, vector<1x16xf32>,
      %get3A_203 = vector.shape_cast %get3A_202 : vector<1x16xf32> to vector<16xf32>
      %get3A_204 = arith.index_cast %div3A_195 : i32 to index
      %get3A_205 = arith.constant 32 : index
      %get3A_206 = tpu.vector_load %arg6[%get3A_204, %get3A_205] {strides = array<i32>} : memref<50x128xf32, #tpu.memory_space<vmem>>, vector<1x16xf32>,
      %get3A_207 = vector.shape_cast %get3A_206 : vector<1x16xf32> to vector<16xf32>
      %get3A_208 = arith.index_cast %div3A_195 : i32 to index
      %get3A_209 = arith.constant 48 : index
      %get3A_210 = tpu.vector_load %arg6[%get3A_208, %get3A_209] {strides = array<i32>} : memref<50x128xf32, #tpu.memory_space<vmem>>, vector<1x16xf32>,
      %get3A_211 = vector.shape_cast %get3A_210 : vector<1x16xf32> to vector<16xf32>
      %get3A_212 = arith.index_cast %div3A_195 : i32 to index
      %get3A_213 = arith.constant 64 : index
      %get3A_214 = tpu.vector_load %arg6[%get3A_212, %get3A_213] {strides = array<i32>} : memref<50x128xf32, #tpu.memory_space<vmem>>, vector<1x16xf32>,
      %get3A_215 = vector.shape_cast %get3A_214 : vector<1x16xf32> to vector<16xf32>
      %get3A_216 = arith.index_cast %div3A_195 : i32 to index
      %get3A_217 = arith.constant 80 : index
      %get3A_218 = tpu.vector_load %arg6[%get3A_216, %get3A_217] {strides = array<i32>} : memref<50x128xf32, #tpu.memory_space<vmem>>, vector<1x16xf32>,
      %get3A_219 = vector.shape_cast %get3A_218 : vector<1x16xf32> to vector<16xf32>
      %get3A_220 = arith.index_cast %div3A_195 : i32 to index
      %get3A_221 = arith.constant 96 : index
      %get3A_222 = tpu.vector_load %arg6[%get3A_220, %get3A_221] {strides = array<i32>} : memref<50x128xf32, #tpu.memory_space<vmem>>, vector<1x16xf32>,
      %get3A_223 = vector.shape_cast %get3A_222 : vector<1x16xf32> to vector<16xf32>
      %get3A_224 = arith.index_cast %div3A_195 : i32 to index
      %get3A_225 = arith.constant 112 : index
      %get3A_226 = tpu.vector_load %arg6[%get3A_224, %get3A_225] {strides = array<i32>} : memref<50x128xf32, #tpu.memory_space<vmem>>, vector<1x16xf32>,
      %get3A_227 = vector.shape_cast %get3A_226 : vector<1x16xf32> to vector<16xf32>
      %scan3A_228 = arith.constant 0 : i32
      %scan3A_229 = arith.constant 0 : i32
      %scan3A_230 = arith.constant 64 : i32
      %scan3A_231 = arith.addi %scan3A_229, %scan3A_230 : i32
      %scan3A_232 = arith.constant 1 : i32
      scf.for %scan3A_493 = %scan3A_229 to %scan3A_231 step %scan3A_232  : i32 {
        %mul3A_494 = arith.constant 2 : i32
        %mul3A_495 = arith.muli %scan3A_493, %mul3A_494 : i32
        %add3A_496 = arith.constant 0 : i32
        %add3A_497 = arith.addi %mul3A_495, %add3A_496 : i32
        %swap3A = arith.index_cast %add3A_497 : i32 to index
        %swap3A_498 = arith.constant 0 : index
        %swap3A_499 = tpu.vector_load %arg13[%swap3A, %swap3A_498] {strides = array<i32>} : memref<128x128xf32, #tpu.memory_space<vmem>>, vector<1x16xf32>,
        %swap3A_500 = vector.shape_cast %swap3A_499 : vector<1x16xf32> to vector<16xf32>
        %swap3A_501 = vector.shape_cast %get3A_199 : vector<16xf32> to vector<1x16xf32>
        tpu.vector_store %arg13[%swap3A, %swap3A_498], %swap3A_501 {add = true, strides = array<i32>} : memref<128x128xf32, #tpu.memory_space<vmem>>, vector<1x16xf32>,
        %swap3A_502 = arith.index_cast %add3A_497 : i32 to index
        %swap3A_503 = arith.constant 16 : index
        %swap3A_504 = tpu.vector_load %arg13[%swap3A_502, %swap3A_503] {strides = array<i32>} : memref<128x128xf32, #tpu.memory_space<vmem>>, vector<1x16xf32>,
        %swap3A_505 = vector.shape_cast %swap3A_504 : vector<1x16xf32> to vector<16xf32>
        %swap3A_506 = vector.shape_cast %get3A_203 : vector<16xf32> to vector<1x16xf32>
        tpu.vector_store %arg13[%swap3A_502, %swap3A_503], %swap3A_506 {add = true, strides = array<i32>} : memref<128x128xf32, #tpu.memory_space<vmem>>, vector<1x16xf32>,
        %swap3A_507 = arith.index_cast %add3A_497 : i32 to index
        %swap3A_508 = arith.constant 32 : index
        %swap3A_509 = tpu.vector_load %arg13[%swap3A_507, %swap3A_508] {strides = array<i32>} : memref<128x128xf32, #tpu.memory_space<vmem>>, vector<1x16xf32>,
        %swap3A_510 = vector.shape_cast %swap3A_509 : vector<1x16xf32> to vector<16xf32>
        %swap3A_511 = vector.shape_cast %get3A_207 : vector<16xf32> to vector<1x16xf32>
        tpu.vector_store %arg13[%swap3A_507, %swap3A_508], %swap3A_511 {add = true, strides = array<i32>} : memref<128x128xf32, #tpu.memory_space<vmem>>, vector<1x16xf32>,
        %swap3A_512 = arith.index_cast %add3A_497 : i32 to index
        %swap3A_513 = arith.constant 48 : index
        %swap3A_514 = tpu.vector_load %arg13[%swap3A_512, %swap3A_513] {strides = array<i32>} : memref<128x128xf32, #tpu.memory_space<vmem>>, vector<1x16xf32>,
        %swap3A_515 = vector.shape_cast %swap3A_514 : vector<1x16xf32> to vector<16xf32>
        %swap3A_516 = vector.shape_cast %get3A_211 : vector<16xf32> to vector<1x16xf32>
        tpu.vector_store %arg13[%swap3A_512, %swap3A_513], %swap3A_516 {add = true, strides = array<i32>} : memref<128x128xf32, #tpu.memory_space<vmem>>, vector<1x16xf32>,
        %swap3A_517 = arith.index_cast %add3A_497 : i32 to index
        %swap3A_518 = arith.constant 64 : index
        %swap3A_519 = tpu.vector_load %arg13[%swap3A_517, %swap3A_518] {strides = array<i32>} : memref<128x128xf32, #tpu.memory_space<vmem>>, vector<1x16xf32>,
        %swap3A_520 = vector.shape_cast %swap3A_519 : vector<1x16xf32> to vector<16xf32>
        %swap3A_521 = vector.shape_cast %get3A_215 : vector<16xf32> to vector<1x16xf32>
        tpu.vector_store %arg13[%swap3A_517, %swap3A_518], %swap3A_521 {add = true, strides = array<i32>} : memref<128x128xf32, #tpu.memory_space<vmem>>, vector<1x16xf32>,
        %swap3A_522 = arith.index_cast %add3A_497 : i32 to index
        %swap3A_523 = arith.constant 80 : index
        %swap3A_524 = tpu.vector_load %arg13[%swap3A_522, %swap3A_523] {strides = array<i32>} : memref<128x128xf32, #tpu.memory_space<vmem>>, vector<1x16xf32>,
        %swap3A_525 = vector.shape_cast %swap3A_524 : vector<1x16xf32> to vector<16xf32>
        %swap3A_526 = vector.shape_cast %get3A_219 : vector<16xf32> to vector<1x16xf32>
        tpu.vector_store %arg13[%swap3A_522, %swap3A_523], %swap3A_526 {add = true, strides = array<i32>} : memref<128x128xf32, #tpu.memory_space<vmem>>, vector<1x16xf32>,
        %swap3A_527 = arith.index_cast %add3A_497 : i32 to index
        %swap3A_528 = arith.constant 96 : index
        %swap3A_529 = tpu.vector_load %arg13[%swap3A_527, %swap3A_528] {strides = array<i32>} : memref<128x128xf32, #tpu.memory_space<vmem>>, vector<1x16xf32>,
        %swap3A_530 = vector.shape_cast %swap3A_529 : vector<1x16xf32> to vector<16xf32>
        %swap3A_531 = vector.shape_cast %get3A_223 : vector<16xf32> to vector<1x16xf32>
        tpu.vector_store %arg13[%swap3A_527, %swap3A_528], %swap3A_531 {add = true, strides = array<i32>} : memref<128x128xf32, #tpu.memory_space<vmem>>, vector<1x16xf32>,
        %swap3A_532 = arith.index_cast %add3A_497 : i32 to index
        %swap3A_533 = arith.constant 112 : index
        %swap3A_534 = tpu.vector_load %arg13[%swap3A_532, %swap3A_533] {strides = array<i32>} : memref<128x128xf32, #tpu.memory_space<vmem>>, vector<1x16xf32>,
        %swap3A_535 = vector.shape_cast %swap3A_534 : vector<1x16xf32> to vector<16xf32>
        %swap3A_536 = vector.shape_cast %get3A_227 : vector<16xf32> to vector<1x16xf32>
        tpu.vector_store %arg13[%swap3A_532, %swap3A_533], %swap3A_536 {add = true, strides = array<i32>} : memref<128x128xf32, #tpu.memory_space<vmem>>, vector<1x16xf32>,
        %mul3A_537 = arith.constant 2 : i32
        %mul3A_538 = arith.muli %scan3A_493, %mul3A_537 : i32
        %add3A_539 = arith.constant 1 : i32
        %add3A_540 = arith.addi %mul3A_538, %add3A_539 : i32
        %swap3A_541 = arith.index_cast %add3A_540 : i32 to index
        %swap3A_542 = arith.constant 0 : index
        %swap3A_543 = tpu.vector_load %arg13[%swap3A_541, %swap3A_542] {strides = array<i32>} : memref<128x128xf32, #tpu.memory_space<vmem>>, vector<1x16xf32>,
        %swap3A_544 = vector.shape_cast %swap3A_543 : vector<1x16xf32> to vector<16xf32>
        %swap3A_545 = vector.shape_cast %get3A_199 : vector<16xf32> to vector<1x16xf32>
        tpu.vector_store %arg13[%swap3A_541, %swap3A_542], %swap3A_545 {add = true, strides = array<i32>} : memref<128x128xf32, #tpu.memory_space<vmem>>, vector<1x16xf32>,
        %swap3A_546 = arith.index_cast %add3A_540 : i32 to index
        %swap3A_547 = arith.constant 16 : index
        %swap3A_548 = tpu.vector_load %arg13[%swap3A_546, %swap3A_547] {strides = array<i32>} : memref<128x128xf32, #tpu.memory_space<vmem>>, vector<1x16xf32>,
        %swap3A_549 = vector.shape_cast %swap3A_548 : vector<1x16xf32> to vector<16xf32>
        %swap3A_550 = vector.shape_cast %get3A_203 : vector<16xf32> to vector<1x16xf32>
        tpu.vector_store %arg13[%swap3A_546, %swap3A_547], %swap3A_550 {add = true, strides = array<i32>} : memref<128x128xf32, #tpu.memory_space<vmem>>, vector<1x16xf32>,
        %swap3A_551 = arith.index_cast %add3A_540 : i32 to index
        %swap3A_552 = arith.constant 32 : index
        %swap3A_553 = tpu.vector_load %arg13[%swap3A_551, %swap3A_552] {strides = array<i32>} : memref<128x128xf32, #tpu.memory_space<vmem>>, vector<1x16xf32>,
        %swap3A_554 = vector.shape_cast %swap3A_553 : vector<1x16xf32> to vector<16xf32>
        %swap3A_555 = vector.shape_cast %get3A_207 : vector<16xf32> to vector<1x16xf32>
        tpu.vector_store %arg13[%swap3A_551, %swap3A_552], %swap3A_555 {add = true, strides = array<i32>} : memref<128x128xf32, #tpu.memory_space<vmem>>, vector<1x16xf32>,
        %swap3A_556 = arith.index_cast %add3A_540 : i32 to index
        %swap3A_557 = arith.constant 48 : index
        %swap3A_558 = tpu.vector_load %arg13[%swap3A_556, %swap3A_557] {strides = array<i32>} : memref<128x128xf32, #tpu.memory_space<vmem>>, vector<1x16xf32>,
        %swap3A_559 = vector.shape_cast %swap3A_558 : vector<1x16xf32> to vector<16xf32>
        %swap3A_560 = vector.shape_cast %get3A_211 : vector<16xf32> to vector<1x16xf32>
        tpu.vector_store %arg13[%swap3A_556, %swap3A_557], %swap3A_560 {add = true, strides = array<i32>} : memref<128x128xf32, #tpu.memory_space<vmem>>, vector<1x16xf32>,
        %swap3A_561 = arith.index_cast %add3A_540 : i32 to index
        %swap3A_562 = arith.constant 64 : index
        %swap3A_563 = tpu.vector_load %arg13[%swap3A_561, %swap3A_562] {strides = array<i32>} : memref<128x128xf32, #tpu.memory_space<vmem>>, vector<1x16xf32>,
        %swap3A_564 = vector.shape_cast %swap3A_563 : vector<1x16xf32> to vector<16xf32>
        %swap3A_565 = vector.shape_cast %get3A_215 : vector<16xf32> to vector<1x16xf32>
        tpu.vector_store %arg13[%swap3A_561, %swap3A_562], %swap3A_565 {add = true, strides = array<i32>} : memref<128x128xf32, #tpu.memory_space<vmem>>, vector<1x16xf32>,
        %swap3A_566 = arith.index_cast %add3A_540 : i32 to index
        %swap3A_567 = arith.constant 80 : index
        %swap3A_568 = tpu.vector_load %arg13[%swap3A_566, %swap3A_567] {strides = array<i32>} : memref<128x128xf32, #tpu.memory_space<vmem>>, vector<1x16xf32>,
        %swap3A_569 = vector.shape_cast %swap3A_568 : vector<1x16xf32> to vector<16xf32>
        %swap3A_570 = vector.shape_cast %get3A_219 : vector<16xf32> to vector<1x16xf32>
        tpu.vector_store %arg13[%swap3A_566, %swap3A_567], %swap3A_570 {add = true, strides = array<i32>} : memref<128x128xf32, #tpu.memory_space<vmem>>, vector<1x16xf32>,
        %swap3A_571 = arith.index_cast %add3A_540 : i32 to index
        %swap3A_572 = arith.constant 96 : index
        %swap3A_573 = tpu.vector_load %arg13[%swap3A_571, %swap3A_572] {strides = array<i32>} : memref<128x128xf32, #tpu.memory_space<vmem>>, vector<1x16xf32>,
        %swap3A_574 = vector.shape_cast %swap3A_573 : vector<1x16xf32> to vector<16xf32>
        %swap3A_575 = vector.shape_cast %get3A_223 : vector<16xf32> to vector<1x16xf32>
        tpu.vector_store %arg13[%swap3A_571, %swap3A_572], %swap3A_575 {add = true, strides = array<i32>} : memref<128x128xf32, #tpu.memory_space<vmem>>, vector<1x16xf32>,
        %swap3A_576 = arith.index_cast %add3A_540 : i32 to index
        %swap3A_577 = arith.constant 112 : index
        %swap3A_578 = tpu.vector_load %arg13[%swap3A_576, %swap3A_577] {strides = array<i32>} : memref<128x128xf32, #tpu.memory_space<vmem>>, vector<1x16xf32>,
        %swap3A_579 = vector.shape_cast %swap3A_578 : vector<1x16xf32> to vector<16xf32>
        %swap3A_580 = vector.shape_cast %get3A_227 : vector<16xf32> to vector<1x16xf32>
        tpu.vector_store %arg13[%swap3A_576, %swap3A_577], %swap3A_580 {add = true, strides = array<i32>} : memref<128x128xf32, #tpu.memory_space<vmem>>, vector<1x16xf32>,
      }
      %scan3A_233 = arith.constant 64 : i32
      %add3A_234 = arith.addi %mul3A_2, %add3A_168 : i32
      %div3A_235 = arith.constant 32 : i32
      %div3A_236 = arith.divsi %add3A_234, %div3A_235 : i32
      %rem3A_237 = arith.constant 32 : i32
      %rem3A_238 = arith.remsi %add3A_234, %rem3A_237 : i32
      %mul3A_239 = arith.constant 128 : i32
      %mul3A_240 = arith.muli %rem3A_238, %mul3A_239 : i32
      %dma_start3A_241 = arith.constant 0 : i32
      %dma_start3A_242 = tpu.memref_slice %arg5[%div3A_236, %mul3A_240, %dma_start3A_241] : memref<50x4096x128xf32, #tpu.memory_space<hbm>> -> memref<1x128x128xf32, #tpu.memory_space<hbm>>
      %dma_start3A_243 = tpu.memref_squeeze %dma_start3A_242 : memref<1x128x128xf32, #tpu.memory_space<hbm>> -> memref<128x128xf32, #tpu.memory_space<hbm>>
      %dma_start3A_244 = arith.constant 0 : i32
      %dma_start3A_245 = tpu.memref_slice %arg5[%div3A_236, %mul3A_240, %dma_start3A_244] : memref<50x4096x128xf32, #tpu.memory_space<hbm>> -> memref<1x128x128xf32, #tpu.memory_space<hbm>>
      %dma_start3A_246 = tpu.memref_squeeze %dma_start3A_245 : memref<1x128x128xf32, #tpu.memory_space<hbm>> -> memref<128x128xf32, #tpu.memory_space<hbm>>
      tpu.enqueue_dma source(%arg13 : memref<128x128xf32, #tpu.memory_space<vmem>>) target(%dma_start3A_246 : memref<128x128xf32, #tpu.memory_space<hbm>>) target_semaphore(%arg28 : memref<!tpu.dma_semaphore, #tpu.memory_space<semaphore_mem>>)
      %mul3A_247 = arith.constant 5 : i32
      %mul3A_248 = arith.muli %scan3A_90, %mul3A_247 : i32
      %add3A_249 = arith.constant 2 : i32
      %add3A_250 = arith.addi %mul3A_248, %add3A_249 : i32
      %ge3A_251 = arith.constant 1 : i32
      %ge3A_252 = arith.cmpi sge, %add3A_250, %ge3A_251 : i32
      %convert_element_type3A_253 = arith.extui %ge3A_252 : i1 to i32
      %cond3A_254 = arith.constant 0 : i32
      %cond3A_255 = arith.cmpi ne, %convert_element_type3A_253, %cond3A_254 : i32
      scf.if %cond3A_255 {
        %dma_wait3A_493 = arith.constant 0 : i32
        %dma_wait3A_494 = arith.constant 0 : i32
        %dma_wait3A_495 = arith.constant 0 : i32
        %dma_wait3A_496 = tpu.memref_slice %arg5[%dma_wait3A_493, %dma_wait3A_494, %dma_wait3A_495] : memref<50x4096x128xf32, #tpu.memory_space<hbm>> -> memref<1x128x128xf32, #tpu.memory_space<hbm>>
        %dma_wait3A_497 = tpu.memref_squeeze %dma_wait3A_496 : memref<1x128x128xf32, #tpu.memory_space<hbm>> -> memref<128x128xf32, #tpu.memory_space<hbm>>
        %dma_wait3A_498 = arith.constant 0 : i32
        %dma_wait3A_499 = arith.constant 0 : i32
        %dma_wait3A_500 = tpu.memref_slice %arg5[%dma_wait3A_493, %dma_wait3A_498, %dma_wait3A_499] : memref<50x4096x128xf32, #tpu.memory_space<hbm>> -> memref<1x128x128xf32, #tpu.memory_space<hbm>>
        %dma_wait3A_501 = tpu.memref_squeeze %dma_wait3A_500 : memref<1x128x128xf32, #tpu.memory_space<hbm>> -> memref<128x128xf32, #tpu.memory_space<hbm>>
        tpu.wait_dma2 semaphore(%arg28 : memref<!tpu.dma_semaphore, #tpu.memory_space<semaphore_mem>>) src(%arg13 : memref<128x128xf32, #tpu.memory_space<vmem>>) dst(%dma_wait3A_501 : memref<128x128xf32, #tpu.memory_space<hbm>>)
      } else {
      }
      %add3A_256 = arith.constant 5 : i32
      %add3A_257 = arith.addi %add3A_250, %add3A_256 : i32
      %sub3A_258 = arith.constant 1 : i32
      %sub3A_259 = arith.subi %add3A_257, %sub3A_258 : i32
      %lt3A_260 = arith.constant 50 : i32
      %lt3A_261 = arith.cmpi slt, %sub3A_259, %lt3A_260 : i32
      %convert_element_type3A_262 = arith.extui %lt3A_261 : i1 to i32
      %cond3A_263 = arith.constant 0 : i32
      %cond3A_264 = arith.cmpi ne, %convert_element_type3A_262, %cond3A_263 : i32
      scf.if %cond3A_264 {
        %dma_wait3A_493 = arith.constant 0 : i32
        %dma_wait3A_494 = arith.constant 0 : i32
        %dma_wait3A_495 = tpu.memref_slice %arg2[%add3A, %dma_wait3A_493, %dma_wait3A_494] : memref<32x50x128xi32, #tpu.memory_space<hbm>> -> memref<1x1x128xi32, #tpu.memory_space<hbm>>
        %dma_wait3A_496 = tpu.memref_squeeze %dma_wait3A_495 : memref<1x1x128xi32, #tpu.memory_space<hbm>> -> memref<128xi32, #tpu.memory_space<hbm>>
        %dma_wait3A_497 = arith.constant 0 : i32
        %dma_wait3A_498 = tpu.memref_slice %arg2[%add3A, %dma_wait3A_493, %dma_wait3A_497] : memref<32x50x128xi32, #tpu.memory_space<hbm>> -> memref<1x1x128xi32, #tpu.memory_space<hbm>>
        %dma_wait3A_499 = tpu.memref_squeeze %dma_wait3A_498 : memref<1x1x128xi32, #tpu.memory_space<hbm>> -> memref<128xi32, #tpu.memory_space<hbm>>
        tpu.wait_dma2 semaphore(%arg18 : memref<!tpu.dma_semaphore, #tpu.memory_space<semaphore_mem>>) src(%dma_wait3A_499 : memref<128xi32, #tpu.memory_space<hbm>>) dst(%arg8 : memref<128xi32, #tpu.memory_space<vmem>>)
        %dma_start3A_500 = arith.constant 0 : i32
        %dma_start3A_501 = arith.constant 0 : i32
        %dma_start3A_502 = tpu.memref_slice %arg3[%dma_start3A_500, %dma_start3A_501] : memref<1000000x128xf32, #tpu.memory_space<hbm>> -> memref<1000000x128xf32, #tpu.memory_space<hbm>>
        tpu.enqueue_indirect_dma source(%dma_start3A_502 : memref<1000000x128xf32, #tpu.memory_space<hbm>>) target(%arg13 : memref<128x128xf32, #tpu.memory_space<vmem>>) offsets(%arg8 : memref<128xi32, #tpu.memory_space<vmem>>) semaphore(%arg23 : memref<!tpu.dma_semaphore, #tpu.memory_space<semaphore_mem>>)
      } else {
      }
      %dma_wait3A_265 = arith.constant 0 : i32
      %dma_wait3A_266 = arith.constant 0 : i32
      %dma_wait3A_267 = tpu.memref_slice %arg3[%dma_wait3A_265, %dma_wait3A_266] : memref<1000000x128xf32, #tpu.memory_space<hbm>> -> memref<1000000x128xf32, #tpu.memory_space<hbm>>
      tpu.wait_indirect_dma semaphore(%arg24 : memref<!tpu.dma_semaphore, #tpu.memory_space<semaphore_mem>>) src(%dma_wait3A_267 : memref<1000000x128xf32, #tpu.memory_space<hbm>>) dst(%arg14 : memref<128x128xf32, #tpu.memory_space<vmem>>)
      %add3A_268 = arith.constant 5 : i32
      %add3A_269 = arith.addi %add3A_250, %add3A_268 : i32
      %lt3A_270 = arith.constant 50 : i32
      %lt3A_271 = arith.cmpi slt, %add3A_269, %lt3A_270 : i32
      %convert_element_type3A_272 = arith.extui %lt3A_271 : i1 to i32
      %cond3A_273 = arith.constant 0 : i32
      %cond3A_274 = arith.cmpi ne, %convert_element_type3A_272, %cond3A_273 : i32
      scf.if %cond3A_274 {
        %add3A_493 = arith.constant 5 : i32
        %add3A_494 = arith.addi %add3A_250, %add3A_493 : i32
        %dma_start3A_495 = arith.constant 0 : i32
        %dma_start3A_496 = tpu.memref_slice %arg2[%add3A, %add3A_494, %dma_start3A_495] : memref<32x50x128xi32, #tpu.memory_space<hbm>> -> memref<1x1x128xi32, #tpu.memory_space<hbm>>
        %dma_start3A_497 = tpu.memref_squeeze %dma_start3A_496 : memref<1x1x128xi32, #tpu.memory_space<hbm>> -> memref<128xi32, #tpu.memory_space<hbm>>
        %dma_start3A_498 = arith.constant 0 : i32
        %dma_start3A_499 = tpu.memref_slice %arg2[%add3A, %add3A_494, %dma_start3A_498] : memref<32x50x128xi32, #tpu.memory_space<hbm>> -> memref<1x1x128xi32, #tpu.memory_space<hbm>>
        %dma_start3A_500 = tpu.memref_squeeze %dma_start3A_499 : memref<1x1x128xi32, #tpu.memory_space<hbm>> -> memref<128xi32, #tpu.memory_space<hbm>>
        tpu.enqueue_dma source(%dma_start3A_500 : memref<128xi32, #tpu.memory_space<hbm>>) target(%arg9 : memref<128xi32, #tpu.memory_space<vmem>>) target_semaphore(%arg19 : memref<!tpu.dma_semaphore, #tpu.memory_space<semaphore_mem>>)
      } else {
      }
      %add3A_275 = arith.addi %mul3A_2, %add3A_250 : i32
      %div3A_276 = arith.constant 32 : i32
      %div3A_277 = arith.divsi %add3A_275, %div3A_276 : i32
      %get3A_278 = arith.index_cast %div3A_277 : i32 to index
      %get3A_279 = arith.constant 0 : index
      %get3A_280 = tpu.vector_load %arg6[%get3A_278, %get3A_279] {strides = array<i32>} : memref<50x128xf32, #tpu.memory_space<vmem>>, vector<1x16xf32>,
      %get3A_281 = vector.shape_cast %get3A_280 : vector<1x16xf32> to vector<16xf32>
      %get3A_282 = arith.index_cast %div3A_277 : i32 to index
      %get3A_283 = arith.constant 16 : index
      %get3A_284 = tpu.vector_load %arg6[%get3A_282, %get3A_283] {strides = array<i32>} : memref<50x128xf32, #tpu.memory_space<vmem>>, vector<1x16xf32>,
      %get3A_285 = vector.shape_cast %get3A_284 : vector<1x16xf32> to vector<16xf32>
      %get3A_286 = arith.index_cast %div3A_277 : i32 to index
      %get3A_287 = arith.constant 32 : index
      %get3A_288 = tpu.vector_load %arg6[%get3A_286, %get3A_287] {strides = array<i32>} : memref<50x128xf32, #tpu.memory_space<vmem>>, vector<1x16xf32>,
      %get3A_289 = vector.shape_cast %get3A_288 : vector<1x16xf32> to vector<16xf32>
      %get3A_290 = arith.index_cast %div3A_277 : i32 to index
      %get3A_291 = arith.constant 48 : index
      %get3A_292 = tpu.vector_load %arg6[%get3A_290, %get3A_291] {strides = array<i32>} : memref<50x128xf32, #tpu.memory_space<vmem>>, vector<1x16xf32>,
      %get3A_293 = vector.shape_cast %get3A_292 : vector<1x16xf32> to vector<16xf32>
      %get3A_294 = arith.index_cast %div3A_277 : i32 to index
      %get3A_295 = arith.constant 64 : index
      %get3A_296 = tpu.vector_load %arg6[%get3A_294, %get3A_295] {strides = array<i32>} : memref<50x128xf32, #tpu.memory_space<vmem>>, vector<1x16xf32>,
      %get3A_297 = vector.shape_cast %get3A_296 : vector<1x16xf32> to vector<16xf32>
      %get3A_298 = arith.index_cast %div3A_277 : i32 to index
      %get3A_299 = arith.constant 80 : index
      %get3A_300 = tpu.vector_load %arg6[%get3A_298, %get3A_299] {strides = array<i32>} : memref<50x128xf32, #tpu.memory_space<vmem>>, vector<1x16xf32>,
      %get3A_301 = vector.shape_cast %get3A_300 : vector<1x16xf32> to vector<16xf32>
      %get3A_302 = arith.index_cast %div3A_277 : i32 to index
      %get3A_303 = arith.constant 96 : index
      %get3A_304 = tpu.vector_load %arg6[%get3A_302, %get3A_303] {strides = array<i32>} : memref<50x128xf32, #tpu.memory_space<vmem>>, vector<1x16xf32>,
      %get3A_305 = vector.shape_cast %get3A_304 : vector<1x16xf32> to vector<16xf32>
      %get3A_306 = arith.index_cast %div3A_277 : i32 to index
      %get3A_307 = arith.constant 112 : index
      %get3A_308 = tpu.vector_load %arg6[%get3A_306, %get3A_307] {strides = array<i32>} : memref<50x128xf32, #tpu.memory_space<vmem>>, vector<1x16xf32>,
      %get3A_309 = vector.shape_cast %get3A_308 : vector<1x16xf32> to vector<16xf32>
      %scan3A_310 = arith.constant 0 : i32
      %scan3A_311 = arith.constant 0 : i32
      %scan3A_312 = arith.constant 64 : i32
      %scan3A_313 = arith.addi %scan3A_311, %scan3A_312 : i32
      %scan3A_314 = arith.constant 1 : i32
      scf.for %scan3A_493 = %scan3A_311 to %scan3A_313 step %scan3A_314  : i32 {
        %mul3A_494 = arith.constant 2 : i32
        %mul3A_495 = arith.muli %scan3A_493, %mul3A_494 : i32
        %add3A_496 = arith.constant 0 : i32
        %add3A_497 = arith.addi %mul3A_495, %add3A_496 : i32
        %swap3A = arith.index_cast %add3A_497 : i32 to index
        %swap3A_498 = arith.constant 0 : index
        %swap3A_499 = tpu.vector_load %arg14[%swap3A, %swap3A_498] {strides = array<i32>} : memref<128x128xf32, #tpu.memory_space<vmem>>, vector<1x16xf32>,
        %swap3A_500 = vector.shape_cast %swap3A_499 : vector<1x16xf32> to vector<16xf32>
        %swap3A_501 = vector.shape_cast %get3A_281 : vector<16xf32> to vector<1x16xf32>
        tpu.vector_store %arg14[%swap3A, %swap3A_498], %swap3A_501 {add = true, strides = array<i32>} : memref<128x128xf32, #tpu.memory_space<vmem>>, vector<1x16xf32>,
        %swap3A_502 = arith.index_cast %add3A_497 : i32 to index
        %swap3A_503 = arith.constant 16 : index
        %swap3A_504 = tpu.vector_load %arg14[%swap3A_502, %swap3A_503] {strides = array<i32>} : memref<128x128xf32, #tpu.memory_space<vmem>>, vector<1x16xf32>,
        %swap3A_505 = vector.shape_cast %swap3A_504 : vector<1x16xf32> to vector<16xf32>
        %swap3A_506 = vector.shape_cast %get3A_285 : vector<16xf32> to vector<1x16xf32>
        tpu.vector_store %arg14[%swap3A_502, %swap3A_503], %swap3A_506 {add = true, strides = array<i32>} : memref<128x128xf32, #tpu.memory_space<vmem>>, vector<1x16xf32>,
        %swap3A_507 = arith.index_cast %add3A_497 : i32 to index
        %swap3A_508 = arith.constant 32 : index
        %swap3A_509 = tpu.vector_load %arg14[%swap3A_507, %swap3A_508] {strides = array<i32>} : memref<128x128xf32, #tpu.memory_space<vmem>>, vector<1x16xf32>,
        %swap3A_510 = vector.shape_cast %swap3A_509 : vector<1x16xf32> to vector<16xf32>
        %swap3A_511 = vector.shape_cast %get3A_289 : vector<16xf32> to vector<1x16xf32>
        tpu.vector_store %arg14[%swap3A_507, %swap3A_508], %swap3A_511 {add = true, strides = array<i32>} : memref<128x128xf32, #tpu.memory_space<vmem>>, vector<1x16xf32>,
        %swap3A_512 = arith.index_cast %add3A_497 : i32 to index
        %swap3A_513 = arith.constant 48 : index
        %swap3A_514 = tpu.vector_load %arg14[%swap3A_512, %swap3A_513] {strides = array<i32>} : memref<128x128xf32, #tpu.memory_space<vmem>>, vector<1x16xf32>,
        %swap3A_515 = vector.shape_cast %swap3A_514 : vector<1x16xf32> to vector<16xf32>
        %swap3A_516 = vector.shape_cast %get3A_293 : vector<16xf32> to vector<1x16xf32>
        tpu.vector_store %arg14[%swap3A_512, %swap3A_513], %swap3A_516 {add = true, strides = array<i32>} : memref<128x128xf32, #tpu.memory_space<vmem>>, vector<1x16xf32>,
        %swap3A_517 = arith.index_cast %add3A_497 : i32 to index
        %swap3A_518 = arith.constant 64 : index
        %swap3A_519 = tpu.vector_load %arg14[%swap3A_517, %swap3A_518] {strides = array<i32>} : memref<128x128xf32, #tpu.memory_space<vmem>>, vector<1x16xf32>,
        %swap3A_520 = vector.shape_cast %swap3A_519 : vector<1x16xf32> to vector<16xf32>
        %swap3A_521 = vector.shape_cast %get3A_297 : vector<16xf32> to vector<1x16xf32>
        tpu.vector_store %arg14[%swap3A_517, %swap3A_518], %swap3A_521 {add = true, strides = array<i32>} : memref<128x128xf32, #tpu.memory_space<vmem>>, vector<1x16xf32>,
        %swap3A_522 = arith.index_cast %add3A_497 : i32 to index
        %swap3A_523 = arith.constant 80 : index
        %swap3A_524 = tpu.vector_load %arg14[%swap3A_522, %swap3A_523] {strides = array<i32>} : memref<128x128xf32, #tpu.memory_space<vmem>>, vector<1x16xf32>,
        %swap3A_525 = vector.shape_cast %swap3A_524 : vector<1x16xf32> to vector<16xf32>
        %swap3A_526 = vector.shape_cast %get3A_301 : vector<16xf32> to vector<1x16xf32>
        tpu.vector_store %arg14[%swap3A_522, %swap3A_523], %swap3A_526 {add = true, strides = array<i32>} : memref<128x128xf32, #tpu.memory_space<vmem>>, vector<1x16xf32>,
        %swap3A_527 = arith.index_cast %add3A_497 : i32 to index
        %swap3A_528 = arith.constant 96 : index
        %swap3A_529 = tpu.vector_load %arg14[%swap3A_527, %swap3A_528] {strides = array<i32>} : memref<128x128xf32, #tpu.memory_space<vmem>>, vector<1x16xf32>,
        %swap3A_530 = vector.shape_cast %swap3A_529 : vector<1x16xf32> to vector<16xf32>
        %swap3A_531 = vector.shape_cast %get3A_305 : vector<16xf32> to vector<1x16xf32>
        tpu.vector_store %arg14[%swap3A_527, %swap3A_528], %swap3A_531 {add = true, strides = array<i32>} : memref<128x128xf32, #tpu.memory_space<vmem>>, vector<1x16xf32>,
        %swap3A_532 = arith.index_cast %add3A_497 : i32 to index
        %swap3A_533 = arith.constant 112 : index
        %swap3A_534 = tpu.vector_load %arg14[%swap3A_532, %swap3A_533] {strides = array<i32>} : memref<128x128xf32, #tpu.memory_space<vmem>>, vector<1x16xf32>,
        %swap3A_535 = vector.shape_cast %swap3A_534 : vector<1x16xf32> to vector<16xf32>
        %swap3A_536 = vector.shape_cast %get3A_309 : vector<16xf32> to vector<1x16xf32>
        tpu.vector_store %arg14[%swap3A_532, %swap3A_533], %swap3A_536 {add = true, strides = array<i32>} : memref<128x128xf32, #tpu.memory_space<vmem>>, vector<1x16xf32>,
        %mul3A_537 = arith.constant 2 : i32
        %mul3A_538 = arith.muli %scan3A_493, %mul3A_537 : i32
        %add3A_539 = arith.constant 1 : i32
        %add3A_540 = arith.addi %mul3A_538, %add3A_539 : i32
        %swap3A_541 = arith.index_cast %add3A_540 : i32 to index
        %swap3A_542 = arith.constant 0 : index
        %swap3A_543 = tpu.vector_load %arg14[%swap3A_541, %swap3A_542] {strides = array<i32>} : memref<128x128xf32, #tpu.memory_space<vmem>>, vector<1x16xf32>,
        %swap3A_544 = vector.shape_cast %swap3A_543 : vector<1x16xf32> to vector<16xf32>
        %swap3A_545 = vector.shape_cast %get3A_281 : vector<16xf32> to vector<1x16xf32>
        tpu.vector_store %arg14[%swap3A_541, %swap3A_542], %swap3A_545 {add = true, strides = array<i32>} : memref<128x128xf32, #tpu.memory_space<vmem>>, vector<1x16xf32>,
        %swap3A_546 = arith.index_cast %add3A_540 : i32 to index
        %swap3A_547 = arith.constant 16 : index
        %swap3A_548 = tpu.vector_load %arg14[%swap3A_546, %swap3A_547] {strides = array<i32>} : memref<128x128xf32, #tpu.memory_space<vmem>>, vector<1x16xf32>,
        %swap3A_549 = vector.shape_cast %swap3A_548 : vector<1x16xf32> to vector<16xf32>
        %swap3A_550 = vector.shape_cast %get3A_285 : vector<16xf32> to vector<1x16xf32>
        tpu.vector_store %arg14[%swap3A_546, %swap3A_547], %swap3A_550 {add = true, strides = array<i32>} : memref<128x128xf32, #tpu.memory_space<vmem>>, vector<1x16xf32>,
        %swap3A_551 = arith.index_cast %add3A_540 : i32 to index
        %swap3A_552 = arith.constant 32 : index
        %swap3A_553 = tpu.vector_load %arg14[%swap3A_551, %swap3A_552] {strides = array<i32>} : memref<128x128xf32, #tpu.memory_space<vmem>>, vector<1x16xf32>,
        %swap3A_554 = vector.shape_cast %swap3A_553 : vector<1x16xf32> to vector<16xf32>
        %swap3A_555 = vector.shape_cast %get3A_289 : vector<16xf32> to vector<1x16xf32>
        tpu.vector_store %arg14[%swap3A_551, %swap3A_552], %swap3A_555 {add = true, strides = array<i32>} : memref<128x128xf32, #tpu.memory_space<vmem>>, vector<1x16xf32>,
        %swap3A_556 = arith.index_cast %add3A_540 : i32 to index
        %swap3A_557 = arith.constant 48 : index
        %swap3A_558 = tpu.vector_load %arg14[%swap3A_556, %swap3A_557] {strides = array<i32>} : memref<128x128xf32, #tpu.memory_space<vmem>>, vector<1x16xf32>,
        %swap3A_559 = vector.shape_cast %swap3A_558 : vector<1x16xf32> to vector<16xf32>
        %swap3A_560 = vector.shape_cast %get3A_293 : vector<16xf32> to vector<1x16xf32>
        tpu.vector_store %arg14[%swap3A_556, %swap3A_557], %swap3A_560 {add = true, strides = array<i32>} : memref<128x128xf32, #tpu.memory_space<vmem>>, vector<1x16xf32>,
        %swap3A_561 = arith.index_cast %add3A_540 : i32 to index
        %swap3A_562 = arith.constant 64 : index
        %swap3A_563 = tpu.vector_load %arg14[%swap3A_561, %swap3A_562] {strides = array<i32>} : memref<128x128xf32, #tpu.memory_space<vmem>>, vector<1x16xf32>,
        %swap3A_564 = vector.shape_cast %swap3A_563 : vector<1x16xf32> to vector<16xf32>
        %swap3A_565 = vector.shape_cast %get3A_297 : vector<16xf32> to vector<1x16xf32>
        tpu.vector_store %arg14[%swap3A_561, %swap3A_562], %swap3A_565 {add = true, strides = array<i32>} : memref<128x128xf32, #tpu.memory_space<vmem>>, vector<1x16xf32>,
        %swap3A_566 = arith.index_cast %add3A_540 : i32 to index
        %swap3A_567 = arith.constant 80 : index
        %swap3A_568 = tpu.vector_load %arg14[%swap3A_566, %swap3A_567] {strides = array<i32>} : memref<128x128xf32, #tpu.memory_space<vmem>>, vector<1x16xf32>,
        %swap3A_569 = vector.shape_cast %swap3A_568 : vector<1x16xf32> to vector<16xf32>
        %swap3A_570 = vector.shape_cast %get3A_301 : vector<16xf32> to vector<1x16xf32>
        tpu.vector_store %arg14[%swap3A_566, %swap3A_567], %swap3A_570 {add = true, strides = array<i32>} : memref<128x128xf32, #tpu.memory_space<vmem>>, vector<1x16xf32>,
        %swap3A_571 = arith.index_cast %add3A_540 : i32 to index
        %swap3A_572 = arith.constant 96 : index
        %swap3A_573 = tpu.vector_load %arg14[%swap3A_571, %swap3A_572] {strides = array<i32>} : memref<128x128xf32, #tpu.memory_space<vmem>>, vector<1x16xf32>,
        %swap3A_574 = vector.shape_cast %swap3A_573 : vector<1x16xf32> to vector<16xf32>
        %swap3A_575 = vector.shape_cast %get3A_305 : vector<16xf32> to vector<1x16xf32>
        tpu.vector_store %arg14[%swap3A_571, %swap3A_572], %swap3A_575 {add = true, strides = array<i32>} : memref<128x128xf32, #tpu.memory_space<vmem>>, vector<1x16xf32>,
        %swap3A_576 = arith.index_cast %add3A_540 : i32 to index
        %swap3A_577 = arith.constant 112 : index
        %swap3A_578 = tpu.vector_load %arg14[%swap3A_576, %swap3A_577] {strides = array<i32>} : memref<128x128xf32, #tpu.memory_space<vmem>>, vector<1x16xf32>,
        %swap3A_579 = vector.shape_cast %swap3A_578 : vector<1x16xf32> to vector<16xf32>
        %swap3A_580 = vector.shape_cast %get3A_309 : vector<16xf32> to vector<1x16xf32>
        tpu.vector_store %arg14[%swap3A_576, %swap3A_577], %swap3A_580 {add = true, strides = array<i32>} : memref<128x128xf32, #tpu.memory_space<vmem>>, vector<1x16xf32>,
      }
      %scan3A_315 = arith.constant 64 : i32
      %add3A_316 = arith.addi %mul3A_2, %add3A_250 : i32
      %div3A_317 = arith.constant 32 : i32
      %div3A_318 = arith.divsi %add3A_316, %div3A_317 : i32
      %rem3A_319 = arith.constant 32 : i32
      %rem3A_320 = arith.remsi %add3A_316, %rem3A_319 : i32
      %mul3A_321 = arith.constant 128 : i32
      %mul3A_322 = arith.muli %rem3A_320, %mul3A_321 : i32
      %dma_start3A_323 = arith.constant 0 : i32
      %dma_start3A_324 = tpu.memref_slice %arg5[%div3A_318, %mul3A_322, %dma_start3A_323] : memref<50x4096x128xf32, #tpu.memory_space<hbm>> -> memref<1x128x128xf32, #tpu.memory_space<hbm>>
      %dma_start3A_325 = tpu.memref_squeeze %dma_start3A_324 : memref<1x128x128xf32, #tpu.memory_space<hbm>> -> memref<128x128xf32, #tpu.memory_space<hbm>>
      %dma_start3A_326 = arith.constant 0 : i32
      %dma_start3A_327 = tpu.memref_slice %arg5[%div3A_318, %mul3A_322, %dma_start3A_326] : memref<50x4096x128xf32, #tpu.memory_space<hbm>> -> memref<1x128x128xf32, #tpu.memory_space<hbm>>
      %dma_start3A_328 = tpu.memref_squeeze %dma_start3A_327 : memref<1x128x128xf32, #tpu.memory_space<hbm>> -> memref<128x128xf32, #tpu.memory_space<hbm>>
      tpu.enqueue_dma source(%arg14 : memref<128x128xf32, #tpu.memory_space<vmem>>) target(%dma_start3A_328 : memref<128x128xf32, #tpu.memory_space<hbm>>) target_semaphore(%arg29 : memref<!tpu.dma_semaphore, #tpu.memory_space<semaphore_mem>>)
      %mul3A_329 = arith.constant 5 : i32
      %mul3A_330 = arith.muli %scan3A_90, %mul3A_329 : i32
      %add3A_331 = arith.constant 3 : i32
      %add3A_332 = arith.addi %mul3A_330, %add3A_331 : i32
      %ge3A_333 = arith.constant 1 : i32
      %ge3A_334 = arith.cmpi sge, %add3A_332, %ge3A_333 : i32
      %convert_element_type3A_335 = arith.extui %ge3A_334 : i1 to i32
      %cond3A_336 = arith.constant 0 : i32
      %cond3A_337 = arith.cmpi ne, %convert_element_type3A_335, %cond3A_336 : i32
      scf.if %cond3A_337 {
        %dma_wait3A_493 = arith.constant 0 : i32
        %dma_wait3A_494 = arith.constant 0 : i32
        %dma_wait3A_495 = arith.constant 0 : i32
        %dma_wait3A_496 = tpu.memref_slice %arg5[%dma_wait3A_493, %dma_wait3A_494, %dma_wait3A_495] : memref<50x4096x128xf32, #tpu.memory_space<hbm>> -> memref<1x128x128xf32, #tpu.memory_space<hbm>>
        %dma_wait3A_497 = tpu.memref_squeeze %dma_wait3A_496 : memref<1x128x128xf32, #tpu.memory_space<hbm>> -> memref<128x128xf32, #tpu.memory_space<hbm>>
        %dma_wait3A_498 = arith.constant 0 : i32
        %dma_wait3A_499 = arith.constant 0 : i32
        %dma_wait3A_500 = tpu.memref_slice %arg5[%dma_wait3A_493, %dma_wait3A_498, %dma_wait3A_499] : memref<50x4096x128xf32, #tpu.memory_space<hbm>> -> memref<1x128x128xf32, #tpu.memory_space<hbm>>
        %dma_wait3A_501 = tpu.memref_squeeze %dma_wait3A_500 : memref<1x128x128xf32, #tpu.memory_space<hbm>> -> memref<128x128xf32, #tpu.memory_space<hbm>>
        tpu.wait_dma2 semaphore(%arg29 : memref<!tpu.dma_semaphore, #tpu.memory_space<semaphore_mem>>) src(%arg14 : memref<128x128xf32, #tpu.memory_space<vmem>>) dst(%dma_wait3A_501 : memref<128x128xf32, #tpu.memory_space<hbm>>)
      } else {
      }
      %add3A_338 = arith.constant 5 : i32
      %add3A_339 = arith.addi %add3A_332, %add3A_338 : i32
      %sub3A_340 = arith.constant 1 : i32
      %sub3A_341 = arith.subi %add3A_339, %sub3A_340 : i32
      %lt3A_342 = arith.constant 50 : i32
      %lt3A_343 = arith.cmpi slt, %sub3A_341, %lt3A_342 : i32
      %convert_element_type3A_344 = arith.extui %lt3A_343 : i1 to i32
      %cond3A_345 = arith.constant 0 : i32
      %cond3A_346 = arith.cmpi ne, %convert_element_type3A_344, %cond3A_345 : i32
      scf.if %cond3A_346 {
        %dma_wait3A_493 = arith.constant 0 : i32
        %dma_wait3A_494 = arith.constant 0 : i32
        %dma_wait3A_495 = tpu.memref_slice %arg2[%add3A, %dma_wait3A_493, %dma_wait3A_494] : memref<32x50x128xi32, #tpu.memory_space<hbm>> -> memref<1x1x128xi32, #tpu.memory_space<hbm>>
        %dma_wait3A_496 = tpu.memref_squeeze %dma_wait3A_495 : memref<1x1x128xi32, #tpu.memory_space<hbm>> -> memref<128xi32, #tpu.memory_space<hbm>>
        %dma_wait3A_497 = arith.constant 0 : i32
        %dma_wait3A_498 = tpu.memref_slice %arg2[%add3A, %dma_wait3A_493, %dma_wait3A_497] : memref<32x50x128xi32, #tpu.memory_space<hbm>> -> memref<1x1x128xi32, #tpu.memory_space<hbm>>
        %dma_wait3A_499 = tpu.memref_squeeze %dma_wait3A_498 : memref<1x1x128xi32, #tpu.memory_space<hbm>> -> memref<128xi32, #tpu.memory_space<hbm>>
        tpu.wait_dma2 semaphore(%arg19 : memref<!tpu.dma_semaphore, #tpu.memory_space<semaphore_mem>>) src(%dma_wait3A_499 : memref<128xi32, #tpu.memory_space<hbm>>) dst(%arg9 : memref<128xi32, #tpu.memory_space<vmem>>)
        %dma_start3A_500 = arith.constant 0 : i32
        %dma_start3A_501 = arith.constant 0 : i32
        %dma_start3A_502 = tpu.memref_slice %arg3[%dma_start3A_500, %dma_start3A_501] : memref<1000000x128xf32, #tpu.memory_space<hbm>> -> memref<1000000x128xf32, #tpu.memory_space<hbm>>
        tpu.enqueue_indirect_dma source(%dma_start3A_502 : memref<1000000x128xf32, #tpu.memory_space<hbm>>) target(%arg14 : memref<128x128xf32, #tpu.memory_space<vmem>>) offsets(%arg9 : memref<128xi32, #tpu.memory_space<vmem>>) semaphore(%arg24 : memref<!tpu.dma_semaphore, #tpu.memory_space<semaphore_mem>>)
      } else {
      }
      %dma_wait3A_347 = arith.constant 0 : i32
      %dma_wait3A_348 = arith.constant 0 : i32
      %dma_wait3A_349 = tpu.memref_slice %arg3[%dma_wait3A_347, %dma_wait3A_348] : memref<1000000x128xf32, #tpu.memory_space<hbm>> -> memref<1000000x128xf32, #tpu.memory_space<hbm>>
      tpu.wait_indirect_dma semaphore(%arg25 : memref<!tpu.dma_semaphore, #tpu.memory_space<semaphore_mem>>) src(%dma_wait3A_349 : memref<1000000x128xf32, #tpu.memory_space<hbm>>) dst(%arg15 : memref<128x128xf32, #tpu.memory_space<vmem>>)
      %add3A_350 = arith.constant 5 : i32
      %add3A_351 = arith.addi %add3A_332, %add3A_350 : i32
      %lt3A_352 = arith.constant 50 : i32
      %lt3A_353 = arith.cmpi slt, %add3A_351, %lt3A_352 : i32
      %convert_element_type3A_354 = arith.extui %lt3A_353 : i1 to i32
      %cond3A_355 = arith.constant 0 : i32
      %cond3A_356 = arith.cmpi ne, %convert_element_type3A_354, %cond3A_355 : i32
      scf.if %cond3A_356 {
        %add3A_493 = arith.constant 5 : i32
        %add3A_494 = arith.addi %add3A_332, %add3A_493 : i32
        %dma_start3A_495 = arith.constant 0 : i32
        %dma_start3A_496 = tpu.memref_slice %arg2[%add3A, %add3A_494, %dma_start3A_495] : memref<32x50x128xi32, #tpu.memory_space<hbm>> -> memref<1x1x128xi32, #tpu.memory_space<hbm>>
        %dma_start3A_497 = tpu.memref_squeeze %dma_start3A_496 : memref<1x1x128xi32, #tpu.memory_space<hbm>> -> memref<128xi32, #tpu.memory_space<hbm>>
        %dma_start3A_498 = arith.constant 0 : i32
        %dma_start3A_499 = tpu.memref_slice %arg2[%add3A, %add3A_494, %dma_start3A_498] : memref<32x50x128xi32, #tpu.memory_space<hbm>> -> memref<1x1x128xi32, #tpu.memory_space<hbm>>
        %dma_start3A_500 = tpu.memref_squeeze %dma_start3A_499 : memref<1x1x128xi32, #tpu.memory_space<hbm>> -> memref<128xi32, #tpu.memory_space<hbm>>
        tpu.enqueue_dma source(%dma_start3A_500 : memref<128xi32, #tpu.memory_space<hbm>>) target(%arg10 : memref<128xi32, #tpu.memory_space<vmem>>) target_semaphore(%arg20 : memref<!tpu.dma_semaphore, #tpu.memory_space<semaphore_mem>>)
      } else {
      }
      %add3A_357 = arith.addi %mul3A_2, %add3A_332 : i32
      %div3A_358 = arith.constant 32 : i32
      %div3A_359 = arith.divsi %add3A_357, %div3A_358 : i32
      %get3A_360 = arith.index_cast %div3A_359 : i32 to index
      %get3A_361 = arith.constant 0 : index
      %get3A_362 = tpu.vector_load %arg6[%get3A_360, %get3A_361] {strides = array<i32>} : memref<50x128xf32, #tpu.memory_space<vmem>>, vector<1x16xf32>,
      %get3A_363 = vector.shape_cast %get3A_362 : vector<1x16xf32> to vector<16xf32>
      %get3A_364 = arith.index_cast %div3A_359 : i32 to index
      %get3A_365 = arith.constant 16 : index
      %get3A_366 = tpu.vector_load %arg6[%get3A_364, %get3A_365] {strides = array<i32>} : memref<50x128xf32, #tpu.memory_space<vmem>>, vector<1x16xf32>,
      %get3A_367 = vector.shape_cast %get3A_366 : vector<1x16xf32> to vector<16xf32>
      %get3A_368 = arith.index_cast %div3A_359 : i32 to index
      %get3A_369 = arith.constant 32 : index
      %get3A_370 = tpu.vector_load %arg6[%get3A_368, %get3A_369] {strides = array<i32>} : memref<50x128xf32, #tpu.memory_space<vmem>>, vector<1x16xf32>,
      %get3A_371 = vector.shape_cast %get3A_370 : vector<1x16xf32> to vector<16xf32>
      %get3A_372 = arith.index_cast %div3A_359 : i32 to index
      %get3A_373 = arith.constant 48 : index
      %get3A_374 = tpu.vector_load %arg6[%get3A_372, %get3A_373] {strides = array<i32>} : memref<50x128xf32, #tpu.memory_space<vmem>>, vector<1x16xf32>,
      %get3A_375 = vector.shape_cast %get3A_374 : vector<1x16xf32> to vector<16xf32>
      %get3A_376 = arith.index_cast %div3A_359 : i32 to index
      %get3A_377 = arith.constant 64 : index
      %get3A_378 = tpu.vector_load %arg6[%get3A_376, %get3A_377] {strides = array<i32>} : memref<50x128xf32, #tpu.memory_space<vmem>>, vector<1x16xf32>,
      %get3A_379 = vector.shape_cast %get3A_378 : vector<1x16xf32> to vector<16xf32>
      %get3A_380 = arith.index_cast %div3A_359 : i32 to index
      %get3A_381 = arith.constant 80 : index
      %get3A_382 = tpu.vector_load %arg6[%get3A_380, %get3A_381] {strides = array<i32>} : memref<50x128xf32, #tpu.memory_space<vmem>>, vector<1x16xf32>,
      %get3A_383 = vector.shape_cast %get3A_382 : vector<1x16xf32> to vector<16xf32>
      %get3A_384 = arith.index_cast %div3A_359 : i32 to index
      %get3A_385 = arith.constant 96 : index
      %get3A_386 = tpu.vector_load %arg6[%get3A_384, %get3A_385] {strides = array<i32>} : memref<50x128xf32, #tpu.memory_space<vmem>>, vector<1x16xf32>,
      %get3A_387 = vector.shape_cast %get3A_386 : vector<1x16xf32> to vector<16xf32>
      %get3A_388 = arith.index_cast %div3A_359 : i32 to index
      %get3A_389 = arith.constant 112 : index
      %get3A_390 = tpu.vector_load %arg6[%get3A_388, %get3A_389] {strides = array<i32>} : memref<50x128xf32, #tpu.memory_space<vmem>>, vector<1x16xf32>,
      %get3A_391 = vector.shape_cast %get3A_390 : vector<1x16xf32> to vector<16xf32>
      %scan3A_392 = arith.constant 0 : i32
      %scan3A_393 = arith.constant 0 : i32
      %scan3A_394 = arith.constant 64 : i32
      %scan3A_395 = arith.addi %scan3A_393, %scan3A_394 : i32
      %scan3A_396 = arith.constant 1 : i32
      scf.for %scan3A_493 = %scan3A_393 to %scan3A_395 step %scan3A_396  : i32 {
        %mul3A_494 = arith.constant 2 : i32
        %mul3A_495 = arith.muli %scan3A_493, %mul3A_494 : i32
        %add3A_496 = arith.constant 0 : i32
        %add3A_497 = arith.addi %mul3A_495, %add3A_496 : i32
        %swap3A = arith.index_cast %add3A_497 : i32 to index
        %swap3A_498 = arith.constant 0 : index
        %swap3A_499 = tpu.vector_load %arg15[%swap3A, %swap3A_498] {strides = array<i32>} : memref<128x128xf32, #tpu.memory_space<vmem>>, vector<1x16xf32>,
        %swap3A_500 = vector.shape_cast %swap3A_499 : vector<1x16xf32> to vector<16xf32>
        %swap3A_501 = vector.shape_cast %get3A_363 : vector<16xf32> to vector<1x16xf32>
        tpu.vector_store %arg15[%swap3A, %swap3A_498], %swap3A_501 {add = true, strides = array<i32>} : memref<128x128xf32, #tpu.memory_space<vmem>>, vector<1x16xf32>,
        %swap3A_502 = arith.index_cast %add3A_497 : i32 to index
        %swap3A_503 = arith.constant 16 : index
        %swap3A_504 = tpu.vector_load %arg15[%swap3A_502, %swap3A_503] {strides = array<i32>} : memref<128x128xf32, #tpu.memory_space<vmem>>, vector<1x16xf32>,
        %swap3A_505 = vector.shape_cast %swap3A_504 : vector<1x16xf32> to vector<16xf32>
        %swap3A_506 = vector.shape_cast %get3A_367 : vector<16xf32> to vector<1x16xf32>
        tpu.vector_store %arg15[%swap3A_502, %swap3A_503], %swap3A_506 {add = true, strides = array<i32>} : memref<128x128xf32, #tpu.memory_space<vmem>>, vector<1x16xf32>,
        %swap3A_507 = arith.index_cast %add3A_497 : i32 to index
        %swap3A_508 = arith.constant 32 : index
        %swap3A_509 = tpu.vector_load %arg15[%swap3A_507, %swap3A_508] {strides = array<i32>} : memref<128x128xf32, #tpu.memory_space<vmem>>, vector<1x16xf32>,
        %swap3A_510 = vector.shape_cast %swap3A_509 : vector<1x16xf32> to vector<16xf32>
        %swap3A_511 = vector.shape_cast %get3A_371 : vector<16xf32> to vector<1x16xf32>
        tpu.vector_store %arg15[%swap3A_507, %swap3A_508], %swap3A_511 {add = true, strides = array<i32>} : memref<128x128xf32, #tpu.memory_space<vmem>>, vector<1x16xf32>,
        %swap3A_512 = arith.index_cast %add3A_497 : i32 to index
        %swap3A_513 = arith.constant 48 : index
        %swap3A_514 = tpu.vector_load %arg15[%swap3A_512, %swap3A_513] {strides = array<i32>} : memref<128x128xf32, #tpu.memory_space<vmem>>, vector<1x16xf32>,
        %swap3A_515 = vector.shape_cast %swap3A_514 : vector<1x16xf32> to vector<16xf32>
        %swap3A_516 = vector.shape_cast %get3A_375 : vector<16xf32> to vector<1x16xf32>
        tpu.vector_store %arg15[%swap3A_512, %swap3A_513], %swap3A_516 {add = true, strides = array<i32>} : memref<128x128xf32, #tpu.memory_space<vmem>>, vector<1x16xf32>,
        %swap3A_517 = arith.index_cast %add3A_497 : i32 to index
        %swap3A_518 = arith.constant 64 : index
        %swap3A_519 = tpu.vector_load %arg15[%swap3A_517, %swap3A_518] {strides = array<i32>} : memref<128x128xf32, #tpu.memory_space<vmem>>, vector<1x16xf32>,
        %swap3A_520 = vector.shape_cast %swap3A_519 : vector<1x16xf32> to vector<16xf32>
        %swap3A_521 = vector.shape_cast %get3A_379 : vector<16xf32> to vector<1x16xf32>
        tpu.vector_store %arg15[%swap3A_517, %swap3A_518], %swap3A_521 {add = true, strides = array<i32>} : memref<128x128xf32, #tpu.memory_space<vmem>>, vector<1x16xf32>,
        %swap3A_522 = arith.index_cast %add3A_497 : i32 to index
        %swap3A_523 = arith.constant 80 : index
        %swap3A_524 = tpu.vector_load %arg15[%swap3A_522, %swap3A_523] {strides = array<i32>} : memref<128x128xf32, #tpu.memory_space<vmem>>, vector<1x16xf32>,
        %swap3A_525 = vector.shape_cast %swap3A_524 : vector<1x16xf32> to vector<16xf32>
        %swap3A_526 = vector.shape_cast %get3A_383 : vector<16xf32> to vector<1x16xf32>
        tpu.vector_store %arg15[%swap3A_522, %swap3A_523], %swap3A_526 {add = true, strides = array<i32>} : memref<128x128xf32, #tpu.memory_space<vmem>>, vector<1x16xf32>,
        %swap3A_527 = arith.index_cast %add3A_497 : i32 to index
        %swap3A_528 = arith.constant 96 : index
        %swap3A_529 = tpu.vector_load %arg15[%swap3A_527, %swap3A_528] {strides = array<i32>} : memref<128x128xf32, #tpu.memory_space<vmem>>, vector<1x16xf32>,
        %swap3A_530 = vector.shape_cast %swap3A_529 : vector<1x16xf32> to vector<16xf32>
        %swap3A_531 = vector.shape_cast %get3A_387 : vector<16xf32> to vector<1x16xf32>
        tpu.vector_store %arg15[%swap3A_527, %swap3A_528], %swap3A_531 {add = true, strides = array<i32>} : memref<128x128xf32, #tpu.memory_space<vmem>>, vector<1x16xf32>,
        %swap3A_532 = arith.index_cast %add3A_497 : i32 to index
        %swap3A_533 = arith.constant 112 : index
        %swap3A_534 = tpu.vector_load %arg15[%swap3A_532, %swap3A_533] {strides = array<i32>} : memref<128x128xf32, #tpu.memory_space<vmem>>, vector<1x16xf32>,
        %swap3A_535 = vector.shape_cast %swap3A_534 : vector<1x16xf32> to vector<16xf32>
        %swap3A_536 = vector.shape_cast %get3A_391 : vector<16xf32> to vector<1x16xf32>
        tpu.vector_store %arg15[%swap3A_532, %swap3A_533], %swap3A_536 {add = true, strides = array<i32>} : memref<128x128xf32, #tpu.memory_space<vmem>>, vector<1x16xf32>,
        %mul3A_537 = arith.constant 2 : i32
        %mul3A_538 = arith.muli %scan3A_493, %mul3A_537 : i32
        %add3A_539 = arith.constant 1 : i32
        %add3A_540 = arith.addi %mul3A_538, %add3A_539 : i32
        %swap3A_541 = arith.index_cast %add3A_540 : i32 to index
        %swap3A_542 = arith.constant 0 : index
        %swap3A_543 = tpu.vector_load %arg15[%swap3A_541, %swap3A_542] {strides = array<i32>} : memref<128x128xf32, #tpu.memory_space<vmem>>, vector<1x16xf32>,
        %swap3A_544 = vector.shape_cast %swap3A_543 : vector<1x16xf32> to vector<16xf32>
        %swap3A_545 = vector.shape_cast %get3A_363 : vector<16xf32> to vector<1x16xf32>
        tpu.vector_store %arg15[%swap3A_541, %swap3A_542], %swap3A_545 {add = true, strides = array<i32>} : memref<128x128xf32, #tpu.memory_space<vmem>>, vector<1x16xf32>,
        %swap3A_546 = arith.index_cast %add3A_540 : i32 to index
        %swap3A_547 = arith.constant 16 : index
        %swap3A_548 = tpu.vector_load %arg15[%swap3A_546, %swap3A_547] {strides = array<i32>} : memref<128x128xf32, #tpu.memory_space<vmem>>, vector<1x16xf32>,
        %swap3A_549 = vector.shape_cast %swap3A_548 : vector<1x16xf32> to vector<16xf32>
        %swap3A_550 = vector.shape_cast %get3A_367 : vector<16xf32> to vector<1x16xf32>
        tpu.vector_store %arg15[%swap3A_546, %swap3A_547], %swap3A_550 {add = true, strides = array<i32>} : memref<128x128xf32, #tpu.memory_space<vmem>>, vector<1x16xf32>,
        %swap3A_551 = arith.index_cast %add3A_540 : i32 to index
        %swap3A_552 = arith.constant 32 : index
        %swap3A_553 = tpu.vector_load %arg15[%swap3A_551, %swap3A_552] {strides = array<i32>} : memref<128x128xf32, #tpu.memory_space<vmem>>, vector<1x16xf32>,
        %swap3A_554 = vector.shape_cast %swap3A_553 : vector<1x16xf32> to vector<16xf32>
        %swap3A_555 = vector.shape_cast %get3A_371 : vector<16xf32> to vector<1x16xf32>
        tpu.vector_store %arg15[%swap3A_551, %swap3A_552], %swap3A_555 {add = true, strides = array<i32>} : memref<128x128xf32, #tpu.memory_space<vmem>>, vector<1x16xf32>,
        %swap3A_556 = arith.index_cast %add3A_540 : i32 to index
        %swap3A_557 = arith.constant 48 : index
        %swap3A_558 = tpu.vector_load %arg15[%swap3A_556, %swap3A_557] {strides = array<i32>} : memref<128x128xf32, #tpu.memory_space<vmem>>, vector<1x16xf32>,
        %swap3A_559 = vector.shape_cast %swap3A_558 : vector<1x16xf32> to vector<16xf32>
        %swap3A_560 = vector.shape_cast %get3A_375 : vector<16xf32> to vector<1x16xf32>
        tpu.vector_store %arg15[%swap3A_556, %swap3A_557], %swap3A_560 {add = true, strides = array<i32>} : memref<128x128xf32, #tpu.memory_space<vmem>>, vector<1x16xf32>,
        %swap3A_561 = arith.index_cast %add3A_540 : i32 to index
        %swap3A_562 = arith.constant 64 : index
        %swap3A_563 = tpu.vector_load %arg15[%swap3A_561, %swap3A_562] {strides = array<i32>} : memref<128x128xf32, #tpu.memory_space<vmem>>, vector<1x16xf32>,
        %swap3A_564 = vector.shape_cast %swap3A_563 : vector<1x16xf32> to vector<16xf32>
        %swap3A_565 = vector.shape_cast %get3A_379 : vector<16xf32> to vector<1x16xf32>
        tpu.vector_store %arg15[%swap3A_561, %swap3A_562], %swap3A_565 {add = true, strides = array<i32>} : memref<128x128xf32, #tpu.memory_space<vmem>>, vector<1x16xf32>,
        %swap3A_566 = arith.index_cast %add3A_540 : i32 to index
        %swap3A_567 = arith.constant 80 : index
        %swap3A_568 = tpu.vector_load %arg15[%swap3A_566, %swap3A_567] {strides = array<i32>} : memref<128x128xf32, #tpu.memory_space<vmem>>, vector<1x16xf32>,
        %swap3A_569 = vector.shape_cast %swap3A_568 : vector<1x16xf32> to vector<16xf32>
        %swap3A_570 = vector.shape_cast %get3A_383 : vector<16xf32> to vector<1x16xf32>
        tpu.vector_store %arg15[%swap3A_566, %swap3A_567], %swap3A_570 {add = true, strides = array<i32>} : memref<128x128xf32, #tpu.memory_space<vmem>>, vector<1x16xf32>,
        %swap3A_571 = arith.index_cast %add3A_540 : i32 to index
        %swap3A_572 = arith.constant 96 : index
        %swap3A_573 = tpu.vector_load %arg15[%swap3A_571, %swap3A_572] {strides = array<i32>} : memref<128x128xf32, #tpu.memory_space<vmem>>, vector<1x16xf32>,
        %swap3A_574 = vector.shape_cast %swap3A_573 : vector<1x16xf32> to vector<16xf32>
        %swap3A_575 = vector.shape_cast %get3A_387 : vector<16xf32> to vector<1x16xf32>
        tpu.vector_store %arg15[%swap3A_571, %swap3A_572], %swap3A_575 {add = true, strides = array<i32>} : memref<128x128xf32, #tpu.memory_space<vmem>>, vector<1x16xf32>,
        %swap3A_576 = arith.index_cast %add3A_540 : i32 to index
        %swap3A_577 = arith.constant 112 : index
        %swap3A_578 = tpu.vector_load %arg15[%swap3A_576, %swap3A_577] {strides = array<i32>} : memref<128x128xf32, #tpu.memory_space<vmem>>, vector<1x16xf32>,
        %swap3A_579 = vector.shape_cast %swap3A_578 : vector<1x16xf32> to vector<16xf32>
        %swap3A_580 = vector.shape_cast %get3A_391 : vector<16xf32> to vector<1x16xf32>
        tpu.vector_store %arg15[%swap3A_576, %swap3A_577], %swap3A_580 {add = true, strides = array<i32>} : memref<128x128xf32, #tpu.memory_space<vmem>>, vector<1x16xf32>,
      }
      %scan3A_397 = arith.constant 64 : i32
      %add3A_398 = arith.addi %mul3A_2, %add3A_332 : i32
      %div3A_399 = arith.constant 32 : i32
      %div3A_400 = arith.divsi %add3A_398, %div3A_399 : i32
      %rem3A_401 = arith.constant 32 : i32
      %rem3A_402 = arith.remsi %add3A_398, %rem3A_401 : i32
      %mul3A_403 = arith.constant 128 : i32
      %mul3A_404 = arith.muli %rem3A_402, %mul3A_403 : i32
      %dma_start3A_405 = arith.constant 0 : i32
      %dma_start3A_406 = tpu.memref_slice %arg5[%div3A_400, %mul3A_404, %dma_start3A_405] : memref<50x4096x128xf32, #tpu.memory_space<hbm>> -> memref<1x128x128xf32, #tpu.memory_space<hbm>>
      %dma_start3A_407 = tpu.memref_squeeze %dma_start3A_406 : memref<1x128x128xf32, #tpu.memory_space<hbm>> -> memref<128x128xf32, #tpu.memory_space<hbm>>
      %dma_start3A_408 = arith.constant 0 : i32
      %dma_start3A_409 = tpu.memref_slice %arg5[%div3A_400, %mul3A_404, %dma_start3A_408] : memref<50x4096x128xf32, #tpu.memory_space<hbm>> -> memref<1x128x128xf32, #tpu.memory_space<hbm>>
      %dma_start3A_410 = tpu.memref_squeeze %dma_start3A_409 : memref<1x128x128xf32, #tpu.memory_space<hbm>> -> memref<128x128xf32, #tpu.memory_space<hbm>>
      tpu.enqueue_dma source(%arg15 : memref<128x128xf32, #tpu.memory_space<vmem>>) target(%dma_start3A_410 : memref<128x128xf32, #tpu.memory_space<hbm>>) target_semaphore(%arg30 : memref<!tpu.dma_semaphore, #tpu.memory_space<semaphore_mem>>)
      %mul3A_411 = arith.constant 5 : i32
      %mul3A_412 = arith.muli %scan3A_90, %mul3A_411 : i32
      %add3A_413 = arith.constant 4 : i32
      %add3A_414 = arith.addi %mul3A_412, %add3A_413 : i32
      %ge3A_415 = arith.constant 1 : i32
      %ge3A_416 = arith.cmpi sge, %add3A_414, %ge3A_415 : i32
      %convert_element_type3A_417 = arith.extui %ge3A_416 : i1 to i32
      %cond3A_418 = arith.constant 0 : i32
      %cond3A_419 = arith.cmpi ne, %convert_element_type3A_417, %cond3A_418 : i32
      scf.if %cond3A_419 {
        %dma_wait3A_493 = arith.constant 0 : i32
        %dma_wait3A_494 = arith.constant 0 : i32
        %dma_wait3A_495 = arith.constant 0 : i32
        %dma_wait3A_496 = tpu.memref_slice %arg5[%dma_wait3A_493, %dma_wait3A_494, %dma_wait3A_495] : memref<50x4096x128xf32, #tpu.memory_space<hbm>> -> memref<1x128x128xf32, #tpu.memory_space<hbm>>
        %dma_wait3A_497 = tpu.memref_squeeze %dma_wait3A_496 : memref<1x128x128xf32, #tpu.memory_space<hbm>> -> memref<128x128xf32, #tpu.memory_space<hbm>>
        %dma_wait3A_498 = arith.constant 0 : i32
        %dma_wait3A_499 = arith.constant 0 : i32
        %dma_wait3A_500 = tpu.memref_slice %arg5[%dma_wait3A_493, %dma_wait3A_498, %dma_wait3A_499] : memref<50x4096x128xf32, #tpu.memory_space<hbm>> -> memref<1x128x128xf32, #tpu.memory_space<hbm>>
        %dma_wait3A_501 = tpu.memref_squeeze %dma_wait3A_500 : memref<1x128x128xf32, #tpu.memory_space<hbm>> -> memref<128x128xf32, #tpu.memory_space<hbm>>
        tpu.wait_dma2 semaphore(%arg30 : memref<!tpu.dma_semaphore, #tpu.memory_space<semaphore_mem>>) src(%arg15 : memref<128x128xf32, #tpu.memory_space<vmem>>) dst(%dma_wait3A_501 : memref<128x128xf32, #tpu.memory_space<hbm>>)
      } else {
      }
      %add3A_420 = arith.constant 5 : i32
      %add3A_421 = arith.addi %add3A_414, %add3A_420 : i32
      %sub3A_422 = arith.constant 1 : i32
      %sub3A_423 = arith.subi %add3A_421, %sub3A_422 : i32
      %lt3A_424 = arith.constant 50 : i32
      %lt3A_425 = arith.cmpi slt, %sub3A_423, %lt3A_424 : i32
      %convert_element_type3A_426 = arith.extui %lt3A_425 : i1 to i32
      %cond3A_427 = arith.constant 0 : i32
      %cond3A_428 = arith.cmpi ne, %convert_element_type3A_426, %cond3A_427 : i32
      scf.if %cond3A_428 {
        %dma_wait3A_493 = arith.constant 0 : i32
        %dma_wait3A_494 = arith.constant 0 : i32
        %dma_wait3A_495 = tpu.memref_slice %arg2[%add3A, %dma_wait3A_493, %dma_wait3A_494] : memref<32x50x128xi32, #tpu.memory_space<hbm>> -> memref<1x1x128xi32, #tpu.memory_space<hbm>>
        %dma_wait3A_496 = tpu.memref_squeeze %dma_wait3A_495 : memref<1x1x128xi32, #tpu.memory_space<hbm>> -> memref<128xi32, #tpu.memory_space<hbm>>
        %dma_wait3A_497 = arith.constant 0 : i32
        %dma_wait3A_498 = tpu.memref_slice %arg2[%add3A, %dma_wait3A_493, %dma_wait3A_497] : memref<32x50x128xi32, #tpu.memory_space<hbm>> -> memref<1x1x128xi32, #tpu.memory_space<hbm>>
        %dma_wait3A_499 = tpu.memref_squeeze %dma_wait3A_498 : memref<1x1x128xi32, #tpu.memory_space<hbm>> -> memref<128xi32, #tpu.memory_space<hbm>>
        tpu.wait_dma2 semaphore(%arg20 : memref<!tpu.dma_semaphore, #tpu.memory_space<semaphore_mem>>) src(%dma_wait3A_499 : memref<128xi32, #tpu.memory_space<hbm>>) dst(%arg10 : memref<128xi32, #tpu.memory_space<vmem>>)
        %dma_start3A_500 = arith.constant 0 : i32
        %dma_start3A_501 = arith.constant 0 : i32
        %dma_start3A_502 = tpu.memref_slice %arg3[%dma_start3A_500, %dma_start3A_501] : memref<1000000x128xf32, #tpu.memory_space<hbm>> -> memref<1000000x128xf32, #tpu.memory_space<hbm>>
        tpu.enqueue_indirect_dma source(%dma_start3A_502 : memref<1000000x128xf32, #tpu.memory_space<hbm>>) target(%arg15 : memref<128x128xf32, #tpu.memory_space<vmem>>) offsets(%arg10 : memref<128xi32, #tpu.memory_space<vmem>>) semaphore(%arg25 : memref<!tpu.dma_semaphore, #tpu.memory_space<semaphore_mem>>)
      } else {
      }
      %dma_wait3A_429 = arith.constant 0 : i32
      %dma_wait3A_430 = arith.constant 0 : i32
      %dma_wait3A_431 = tpu.memref_slice %arg3[%dma_wait3A_429, %dma_wait3A_430] : memref<1000000x128xf32, #tpu.memory_space<hbm>> -> memref<1000000x128xf32, #tpu.memory_space<hbm>>
      tpu.wait_indirect_dma semaphore(%arg26 : memref<!tpu.dma_semaphore, #tpu.memory_space<semaphore_mem>>) src(%dma_wait3A_431 : memref<1000000x128xf32, #tpu.memory_space<hbm>>) dst(%arg16 : memref<128x128xf32, #tpu.memory_space<vmem>>)
      %add3A_432 = arith.constant 5 : i32
      %add3A_433 = arith.addi %add3A_414, %add3A_432 : i32
      %lt3A_434 = arith.constant 50 : i32
      %lt3A_435 = arith.cmpi slt, %add3A_433, %lt3A_434 : i32
      %convert_element_type3A_436 = arith.extui %lt3A_435 : i1 to i32
      %cond3A_437 = arith.constant 0 : i32
      %cond3A_438 = arith.cmpi ne, %convert_element_type3A_436, %cond3A_437 : i32
      scf.if %cond3A_438 {
        %add3A_493 = arith.constant 5 : i32
        %add3A_494 = arith.addi %add3A_414, %add3A_493 : i32
        %dma_start3A_495 = arith.constant 0 : i32
        %dma_start3A_496 = tpu.memref_slice %arg2[%add3A, %add3A_494, %dma_start3A_495] : memref<32x50x128xi32, #tpu.memory_space<hbm>> -> memref<1x1x128xi32, #tpu.memory_space<hbm>>
        %dma_start3A_497 = tpu.memref_squeeze %dma_start3A_496 : memref<1x1x128xi32, #tpu.memory_space<hbm>> -> memref<128xi32, #tpu.memory_space<hbm>>
        %dma_start3A_498 = arith.constant 0 : i32
        %dma_start3A_499 = tpu.memref_slice %arg2[%add3A, %add3A_494, %dma_start3A_498] : memref<32x50x128xi32, #tpu.memory_space<hbm>> -> memref<1x1x128xi32, #tpu.memory_space<hbm>>
        %dma_start3A_500 = tpu.memref_squeeze %dma_start3A_499 : memref<1x1x128xi32, #tpu.memory_space<hbm>> -> memref<128xi32, #tpu.memory_space<hbm>>
        tpu.enqueue_dma source(%dma_start3A_500 : memref<128xi32, #tpu.memory_space<hbm>>) target(%arg11 : memref<128xi32, #tpu.memory_space<vmem>>) target_semaphore(%arg21 : memref<!tpu.dma_semaphore, #tpu.memory_space<semaphore_mem>>)
      } else {
      }
      %add3A_439 = arith.addi %mul3A_2, %add3A_414 : i32
      %div3A_440 = arith.constant 32 : i32
      %div3A_441 = arith.divsi %add3A_439, %div3A_440 : i32
      %get3A_442 = arith.index_cast %div3A_441 : i32 to index
      %get3A_443 = arith.constant 0 : index
      %get3A_444 = tpu.vector_load %arg6[%get3A_442, %get3A_443] {strides = array<i32>} : memref<50x128xf32, #tpu.memory_space<vmem>>, vector<1x16xf32>,
      %get3A_445 = vector.shape_cast %get3A_444 : vector<1x16xf32> to vector<16xf32>
      %get3A_446 = arith.index_cast %div3A_441 : i32 to index
      %get3A_447 = arith.constant 16 : index
      %get3A_448 = tpu.vector_load %arg6[%get3A_446, %get3A_447] {strides = array<i32>} : memref<50x128xf32, #tpu.memory_space<vmem>>, vector<1x16xf32>,
      %get3A_449 = vector.shape_cast %get3A_448 : vector<1x16xf32> to vector<16xf32>
      %get3A_450 = arith.index_cast %div3A_441 : i32 to index
      %get3A_451 = arith.constant 32 : index
      %get3A_452 = tpu.vector_load %arg6[%get3A_450, %get3A_451] {strides = array<i32>} : memref<50x128xf32, #tpu.memory_space<vmem>>, vector<1x16xf32>,
      %get3A_453 = vector.shape_cast %get3A_452 : vector<1x16xf32> to vector<16xf32>
      %get3A_454 = arith.index_cast %div3A_441 : i32 to index
      %get3A_455 = arith.constant 48 : index
      %get3A_456 = tpu.vector_load %arg6[%get3A_454, %get3A_455] {strides = array<i32>} : memref<50x128xf32, #tpu.memory_space<vmem>>, vector<1x16xf32>,
      %get3A_457 = vector.shape_cast %get3A_456 : vector<1x16xf32> to vector<16xf32>
      %get3A_458 = arith.index_cast %div3A_441 : i32 to index
      %get3A_459 = arith.constant 64 : index
      %get3A_460 = tpu.vector_load %arg6[%get3A_458, %get3A_459] {strides = array<i32>} : memref<50x128xf32, #tpu.memory_space<vmem>>, vector<1x16xf32>,
      %get3A_461 = vector.shape_cast %get3A_460 : vector<1x16xf32> to vector<16xf32>
      %get3A_462 = arith.index_cast %div3A_441 : i32 to index
      %get3A_463 = arith.constant 80 : index
      %get3A_464 = tpu.vector_load %arg6[%get3A_462, %get3A_463] {strides = array<i32>} : memref<50x128xf32, #tpu.memory_space<vmem>>, vector<1x16xf32>,
      %get3A_465 = vector.shape_cast %get3A_464 : vector<1x16xf32> to vector<16xf32>
      %get3A_466 = arith.index_cast %div3A_441 : i32 to index
      %get3A_467 = arith.constant 96 : index
      %get3A_468 = tpu.vector_load %arg6[%get3A_466, %get3A_467] {strides = array<i32>} : memref<50x128xf32, #tpu.memory_space<vmem>>, vector<1x16xf32>,
      %get3A_469 = vector.shape_cast %get3A_468 : vector<1x16xf32> to vector<16xf32>
      %get3A_470 = arith.index_cast %div3A_441 : i32 to index
      %get3A_471 = arith.constant 112 : index
      %get3A_472 = tpu.vector_load %arg6[%get3A_470, %get3A_471] {strides = array<i32>} : memref<50x128xf32, #tpu.memory_space<vmem>>, vector<1x16xf32>,
      %get3A_473 = vector.shape_cast %get3A_472 : vector<1x16xf32> to vector<16xf32>
      %scan3A_474 = arith.constant 0 : i32
      %scan3A_475 = arith.constant 0 : i32
      %scan3A_476 = arith.constant 64 : i32
      %scan3A_477 = arith.addi %scan3A_475, %scan3A_476 : i32
      %scan3A_478 = arith.constant 1 : i32
      scf.for %scan3A_493 = %scan3A_475 to %scan3A_477 step %scan3A_478  : i32 {
        %mul3A_494 = arith.constant 2 : i32
        %mul3A_495 = arith.muli %scan3A_493, %mul3A_494 : i32
        %add3A_496 = arith.constant 0 : i32
        %add3A_497 = arith.addi %mul3A_495, %add3A_496 : i32
        %swap3A = arith.index_cast %add3A_497 : i32 to index
        %swap3A_498 = arith.constant 0 : index
        %swap3A_499 = tpu.vector_load %arg16[%swap3A, %swap3A_498] {strides = array<i32>} : memref<128x128xf32, #tpu.memory_space<vmem>>, vector<1x16xf32>,
        %swap3A_500 = vector.shape_cast %swap3A_499 : vector<1x16xf32> to vector<16xf32>
        %swap3A_501 = vector.shape_cast %get3A_445 : vector<16xf32> to vector<1x16xf32>
        tpu.vector_store %arg16[%swap3A, %swap3A_498], %swap3A_501 {add = true, strides = array<i32>} : memref<128x128xf32, #tpu.memory_space<vmem>>, vector<1x16xf32>,
        %swap3A_502 = arith.index_cast %add3A_497 : i32 to index
        %swap3A_503 = arith.constant 16 : index
        %swap3A_504 = tpu.vector_load %arg16[%swap3A_502, %swap3A_503] {strides = array<i32>} : memref<128x128xf32, #tpu.memory_space<vmem>>, vector<1x16xf32>,
        %swap3A_505 = vector.shape_cast %swap3A_504 : vector<1x16xf32> to vector<16xf32>
        %swap3A_506 = vector.shape_cast %get3A_449 : vector<16xf32> to vector<1x16xf32>
        tpu.vector_store %arg16[%swap3A_502, %swap3A_503], %swap3A_506 {add = true, strides = array<i32>} : memref<128x128xf32, #tpu.memory_space<vmem>>, vector<1x16xf32>,
        %swap3A_507 = arith.index_cast %add3A_497 : i32 to index
        %swap3A_508 = arith.constant 32 : index
        %swap3A_509 = tpu.vector_load %arg16[%swap3A_507, %swap3A_508] {strides = array<i32>} : memref<128x128xf32, #tpu.memory_space<vmem>>, vector<1x16xf32>,
        %swap3A_510 = vector.shape_cast %swap3A_509 : vector<1x16xf32> to vector<16xf32>
        %swap3A_511 = vector.shape_cast %get3A_453 : vector<16xf32> to vector<1x16xf32>
        tpu.vector_store %arg16[%swap3A_507, %swap3A_508], %swap3A_511 {add = true, strides = array<i32>} : memref<128x128xf32, #tpu.memory_space<vmem>>, vector<1x16xf32>,
        %swap3A_512 = arith.index_cast %add3A_497 : i32 to index
        %swap3A_513 = arith.constant 48 : index
        %swap3A_514 = tpu.vector_load %arg16[%swap3A_512, %swap3A_513] {strides = array<i32>} : memref<128x128xf32, #tpu.memory_space<vmem>>, vector<1x16xf32>,
        %swap3A_515 = vector.shape_cast %swap3A_514 : vector<1x16xf32> to vector<16xf32>
        %swap3A_516 = vector.shape_cast %get3A_457 : vector<16xf32> to vector<1x16xf32>
        tpu.vector_store %arg16[%swap3A_512, %swap3A_513], %swap3A_516 {add = true, strides = array<i32>} : memref<128x128xf32, #tpu.memory_space<vmem>>, vector<1x16xf32>,
        %swap3A_517 = arith.index_cast %add3A_497 : i32 to index
        %swap3A_518 = arith.constant 64 : index
        %swap3A_519 = tpu.vector_load %arg16[%swap3A_517, %swap3A_518] {strides = array<i32>} : memref<128x128xf32, #tpu.memory_space<vmem>>, vector<1x16xf32>,
        %swap3A_520 = vector.shape_cast %swap3A_519 : vector<1x16xf32> to vector<16xf32>
        %swap3A_521 = vector.shape_cast %get3A_461 : vector<16xf32> to vector<1x16xf32>
        tpu.vector_store %arg16[%swap3A_517, %swap3A_518], %swap3A_521 {add = true, strides = array<i32>} : memref<128x128xf32, #tpu.memory_space<vmem>>, vector<1x16xf32>,
        %swap3A_522 = arith.index_cast %add3A_497 : i32 to index
        %swap3A_523 = arith.constant 80 : index
        %swap3A_524 = tpu.vector_load %arg16[%swap3A_522, %swap3A_523] {strides = array<i32>} : memref<128x128xf32, #tpu.memory_space<vmem>>, vector<1x16xf32>,
        %swap3A_525 = vector.shape_cast %swap3A_524 : vector<1x16xf32> to vector<16xf32>
        %swap3A_526 = vector.shape_cast %get3A_465 : vector<16xf32> to vector<1x16xf32>
        tpu.vector_store %arg16[%swap3A_522, %swap3A_523], %swap3A_526 {add = true, strides = array<i32>} : memref<128x128xf32, #tpu.memory_space<vmem>>, vector<1x16xf32>,
        %swap3A_527 = arith.index_cast %add3A_497 : i32 to index
        %swap3A_528 = arith.constant 96 : index
        %swap3A_529 = tpu.vector_load %arg16[%swap3A_527, %swap3A_528] {strides = array<i32>} : memref<128x128xf32, #tpu.memory_space<vmem>>, vector<1x16xf32>,
        %swap3A_530 = vector.shape_cast %swap3A_529 : vector<1x16xf32> to vector<16xf32>
        %swap3A_531 = vector.shape_cast %get3A_469 : vector<16xf32> to vector<1x16xf32>
        tpu.vector_store %arg16[%swap3A_527, %swap3A_528], %swap3A_531 {add = true, strides = array<i32>} : memref<128x128xf32, #tpu.memory_space<vmem>>, vector<1x16xf32>,
        %swap3A_532 = arith.index_cast %add3A_497 : i32 to index
        %swap3A_533 = arith.constant 112 : index
        %swap3A_534 = tpu.vector_load %arg16[%swap3A_532, %swap3A_533] {strides = array<i32>} : memref<128x128xf32, #tpu.memory_space<vmem>>, vector<1x16xf32>,
        %swap3A_535 = vector.shape_cast %swap3A_534 : vector<1x16xf32> to vector<16xf32>
        %swap3A_536 = vector.shape_cast %get3A_473 : vector<16xf32> to vector<1x16xf32>
        tpu.vector_store %arg16[%swap3A_532, %swap3A_533], %swap3A_536 {add = true, strides = array<i32>} : memref<128x128xf32, #tpu.memory_space<vmem>>, vector<1x16xf32>,
        %mul3A_537 = arith.constant 2 : i32
        %mul3A_538 = arith.muli %scan3A_493, %mul3A_537 : i32
        %add3A_539 = arith.constant 1 : i32
        %add3A_540 = arith.addi %mul3A_538, %add3A_539 : i32
        %swap3A_541 = arith.index_cast %add3A_540 : i32 to index
        %swap3A_542 = arith.constant 0 : index
        %swap3A_543 = tpu.vector_load %arg16[%swap3A_541, %swap3A_542] {strides = array<i32>} : memref<128x128xf32, #tpu.memory_space<vmem>>, vector<1x16xf32>,
        %swap3A_544 = vector.shape_cast %swap3A_543 : vector<1x16xf32> to vector<16xf32>
        %swap3A_545 = vector.shape_cast %get3A_445 : vector<16xf32> to vector<1x16xf32>
        tpu.vector_store %arg16[%swap3A_541, %swap3A_542], %swap3A_545 {add = true, strides = array<i32>} : memref<128x128xf32, #tpu.memory_space<vmem>>, vector<1x16xf32>,
        %swap3A_546 = arith.index_cast %add3A_540 : i32 to index
        %swap3A_547 = arith.constant 16 : index
        %swap3A_548 = tpu.vector_load %arg16[%swap3A_546, %swap3A_547] {strides = array<i32>} : memref<128x128xf32, #tpu.memory_space<vmem>>, vector<1x16xf32>,
        %swap3A_549 = vector.shape_cast %swap3A_548 : vector<1x16xf32> to vector<16xf32>
        %swap3A_550 = vector.shape_cast %get3A_449 : vector<16xf32> to vector<1x16xf32>
        tpu.vector_store %arg16[%swap3A_546, %swap3A_547], %swap3A_550 {add = true, strides = array<i32>} : memref<128x128xf32, #tpu.memory_space<vmem>>, vector<1x16xf32>,
        %swap3A_551 = arith.index_cast %add3A_540 : i32 to index
        %swap3A_552 = arith.constant 32 : index
        %swap3A_553 = tpu.vector_load %arg16[%swap3A_551, %swap3A_552] {strides = array<i32>} : memref<128x128xf32, #tpu.memory_space<vmem>>, vector<1x16xf32>,
        %swap3A_554 = vector.shape_cast %swap3A_553 : vector<1x16xf32> to vector<16xf32>
        %swap3A_555 = vector.shape_cast %get3A_453 : vector<16xf32> to vector<1x16xf32>
        tpu.vector_store %arg16[%swap3A_551, %swap3A_552], %swap3A_555 {add = true, strides = array<i32>} : memref<128x128xf32, #tpu.memory_space<vmem>>, vector<1x16xf32>,
        %swap3A_556 = arith.index_cast %add3A_540 : i32 to index
        %swap3A_557 = arith.constant 48 : index
        %swap3A_558 = tpu.vector_load %arg16[%swap3A_556, %swap3A_557] {strides = array<i32>} : memref<128x128xf32, #tpu.memory_space<vmem>>, vector<1x16xf32>,
        %swap3A_559 = vector.shape_cast %swap3A_558 : vector<1x16xf32> to vector<16xf32>
        %swap3A_560 = vector.shape_cast %get3A_457 : vector<16xf32> to vector<1x16xf32>
        tpu.vector_store %arg16[%swap3A_556, %swap3A_557], %swap3A_560 {add = true, strides = array<i32>} : memref<128x128xf32, #tpu.memory_space<vmem>>, vector<1x16xf32>,
        %swap3A_561 = arith.index_cast %add3A_540 : i32 to index
        %swap3A_562 = arith.constant 64 : index
        %swap3A_563 = tpu.vector_load %arg16[%swap3A_561, %swap3A_562] {strides = array<i32>} : memref<128x128xf32, #tpu.memory_space<vmem>>, vector<1x16xf32>,
        %swap3A_564 = vector.shape_cast %swap3A_563 : vector<1x16xf32> to vector<16xf32>
        %swap3A_565 = vector.shape_cast %get3A_461 : vector<16xf32> to vector<1x16xf32>
        tpu.vector_store %arg16[%swap3A_561, %swap3A_562], %swap3A_565 {add = true, strides = array<i32>} : memref<128x128xf32, #tpu.memory_space<vmem>>, vector<1x16xf32>,
        %swap3A_566 = arith.index_cast %add3A_540 : i32 to index
        %swap3A_567 = arith.constant 80 : index
        %swap3A_568 = tpu.vector_load %arg16[%swap3A_566, %swap3A_567] {strides = array<i32>} : memref<128x128xf32, #tpu.memory_space<vmem>>, vector<1x16xf32>,
        %swap3A_569 = vector.shape_cast %swap3A_568 : vector<1x16xf32> to vector<16xf32>
        %swap3A_570 = vector.shape_cast %get3A_465 : vector<16xf32> to vector<1x16xf32>
        tpu.vector_store %arg16[%swap3A_566, %swap3A_567], %swap3A_570 {add = true, strides = array<i32>} : memref<128x128xf32, #tpu.memory_space<vmem>>, vector<1x16xf32>,
        %swap3A_571 = arith.index_cast %add3A_540 : i32 to index
        %swap3A_572 = arith.constant 96 : index
        %swap3A_573 = tpu.vector_load %arg16[%swap3A_571, %swap3A_572] {strides = array<i32>} : memref<128x128xf32, #tpu.memory_space<vmem>>, vector<1x16xf32>,
        %swap3A_574 = vector.shape_cast %swap3A_573 : vector<1x16xf32> to vector<16xf32>
        %swap3A_575 = vector.shape_cast %get3A_469 : vector<16xf32> to vector<1x16xf32>
        tpu.vector_store %arg16[%swap3A_571, %swap3A_572], %swap3A_575 {add = true, strides = array<i32>} : memref<128x128xf32, #tpu.memory_space<vmem>>, vector<1x16xf32>,
        %swap3A_576 = arith.index_cast %add3A_540 : i32 to index
        %swap3A_577 = arith.constant 112 : index
        %swap3A_578 = tpu.vector_load %arg16[%swap3A_576, %swap3A_577] {strides = array<i32>} : memref<128x128xf32, #tpu.memory_space<vmem>>, vector<1x16xf32>,
        %swap3A_579 = vector.shape_cast %swap3A_578 : vector<1x16xf32> to vector<16xf32>
        %swap3A_580 = vector.shape_cast %get3A_473 : vector<16xf32> to vector<1x16xf32>
        tpu.vector_store %arg16[%swap3A_576, %swap3A_577], %swap3A_580 {add = true, strides = array<i32>} : memref<128x128xf32, #tpu.memory_space<vmem>>, vector<1x16xf32>,
      }
      %scan3A_479 = arith.constant 64 : i32
      %add3A_480 = arith.addi %mul3A_2, %add3A_414 : i32
      %div3A_481 = arith.constant 32 : i32
      %div3A_482 = arith.divsi %add3A_480, %div3A_481 : i32
      %rem3A_483 = arith.constant 32 : i32
      %rem3A_484 = arith.remsi %add3A_480, %rem3A_483 : i32
      %mul3A_485 = arith.constant 128 : i32
      %mul3A_486 = arith.muli %rem3A_484, %mul3A_485 : i32
      %dma_start3A_487 = arith.constant 0 : i32
      %dma_start3A_488 = tpu.memref_slice %arg5[%div3A_482, %mul3A_486, %dma_start3A_487] : memref<50x4096x128xf32, #tpu.memory_space<hbm>> -> memref<1x128x128xf32, #tpu.memory_space<hbm>>
      %dma_start3A_489 = tpu.memref_squeeze %dma_start3A_488 : memref<1x128x128xf32, #tpu.memory_space<hbm>> -> memref<128x128xf32, #tpu.memory_space<hbm>>
      %dma_start3A_490 = arith.constant 0 : i32
      %dma_start3A_491 = tpu.memref_slice %arg5[%div3A_482, %mul3A_486, %dma_start3A_490] : memref<50x4096x128xf32, #tpu.memory_space<hbm>> -> memref<1x128x128xf32, #tpu.memory_space<hbm>>
      %dma_start3A_492 = tpu.memref_squeeze %dma_start3A_491 : memref<1x128x128xf32, #tpu.memory_space<hbm>> -> memref<128x128xf32, #tpu.memory_space<hbm>>
      tpu.enqueue_dma source(%arg16 : memref<128x128xf32, #tpu.memory_space<vmem>>) target(%dma_start3A_492 : memref<128x128xf32, #tpu.memory_space<hbm>>) target_semaphore(%arg31 : memref<!tpu.dma_semaphore, #tpu.memory_space<semaphore_mem>>)
    }
    %scan3A_80 = arith.constant 10 : i32
    %dma_wait3A_81 = arith.constant 0 : i32
    %dma_wait3A_82 = arith.constant 0 : i32
    %dma_wait3A_83 = arith.constant 0 : i32
    %dma_wait3A_84 = tpu.memref_slice %arg5[%dma_wait3A_81, %dma_wait3A_82, %dma_wait3A_83] : memref<50x4096x128xf32, #tpu.memory_space<hbm>> -> memref<1x128x128xf32, #tpu.memory_space<hbm>>
    %dma_wait3A_85 = tpu.memref_squeeze %dma_wait3A_84 : memref<1x128x128xf32, #tpu.memory_space<hbm>> -> memref<128x128xf32, #tpu.memory_space<hbm>>
    %dma_wait3A_86 = arith.constant 0 : i32
    %dma_wait3A_87 = arith.constant 0 : i32
    %dma_wait3A_88 = tpu.memref_slice %arg5[%dma_wait3A_81, %dma_wait3A_86, %dma_wait3A_87] : memref<50x4096x128xf32, #tpu.memory_space<hbm>> -> memref<1x128x128xf32, #tpu.memory_space<hbm>>
    %dma_wait3A_89 = tpu.memref_squeeze %dma_wait3A_88 : memref<1x128x128xf32, #tpu.memory_space<hbm>> -> memref<128x128xf32, #tpu.memory_space<hbm>>
    tpu.wait_dma2 semaphore(%arg31 : memref<!tpu.dma_semaphore, #tpu.memory_space<semaphore_mem>>) src(%arg16 : memref<128x128xf32, #tpu.memory_space<vmem>>) dst(%dma_wait3A_89 : memref<128x128xf32, #tpu.memory_space<hbm>>)
    return
  }
}

</mosaic_0001>

<sc_bundles>
// kernel: kernel.3.cloned.1.call-start
scs
__scs_entry_jumppad:
0x0: {  	(pc) =	sbr.rel $0x88, $3  }
0x1: {  	(tag) =	ssettag $0x0;
	lr =	simm.s32 $0x1  }
0x2: {  	[smem:$0x3F9F] =	sst lr;
	_ =	strace $0xD0000000  }
0x3: {  	_ = 	snop  }
0x4: {  	_ = 	snop  }
0x5: {  	_ = 	snop  }
0x6: {  	_ = 	snop  }
0x7: {  	_ = 	snop  }
__scs_overlays_trampoline_lowered:
0x8: {  	[smem:$0x3FAE] =	sst s0  }
0x9: {  	[smem:$0x3FAF] =	sst s1  }
0xa: {  	[smem:$0x3FB0] =	sst s2  }
0xb: {  	[smem:$0x3FB1] =	sst s3  }
0xc: {  	[smem:$0x3FB2] =	sst s4  }
0xd: {  	[smem:$0x3FB3] =	sst s5  }
0xe: {  	[smem:$0x3FB4] =	sst s6  }
0xf: {  	[smem:$0x3FB5] =	sst s7  }
0x10: {  	[smem:$0x3FB6] =	sst s8  }
0x11: {  	[smem:$0x3FB7] =	sst s9;
	s0 =	simm.s32 @!p0 $0x0  }
0x12: {  	s1 =	sld [smem:$0x3F9D];
	s0 =	simm.s32 @p0 $0x1  }
0x13: {  	[smem:$0x3FB8] =	sst s0;
	s0 =	simm.s32 @!p1 $0x0  }
0x14: {  	s2 =	sld [smem:$0x3F9C];
	s0 =	simm.s32 @p1 $0x1  }
0x15: {  	[smem:$0x3FB9] =	sst s0;
	s0 =	simm.s32 @!p2 $0x0  }
0x16: {  	s3 =	sld [smem:$0x3FDB];
	s0 =	simm.s32 @p2 $0x1  }
0x17: {  	s4 =	simm.s32 $0x1BF5;
	[smem:$0x3FBB] =	sst s0  }
0x18: {  	s0 =	sld [smem:$0x3F9E];
	_ =	swait.ge [sflag:s4], $0x0  }
0x19: {  	s7 =	sld [smem:$0x3F9F]  }
0x1a: {  	s8 =	sadd.s32 $0xFFFFE003, lr  }
0x1b: {  	s9 =	sadd.s32 $0xFFFFFEF7, lr;
	s5 =	simm.s32 $0xFFFFFFFF;
	p2 =	slt.u32 s8, $0xFFFFF086  }
0x1c: {  	p1 =	slt.u32 s9, $0xF7A;
	s5 =	simm.s32 @!p2 $0x0  }
0x1d: {  	s5 =	simm.s32 @p1 $0x1;
	p0 =	seq.s32 s7, s2  }
0x1e: {  	s7 =	smul.u32 @!p0 $0xF7A, s2;
	p2 =	seq.s32 @!p0 s5, $0x0  }
0x1f: {  	s9 =	smul.u32 $0xF7A, s1;
	s8 =	simm.s32 @!p0 $0x1BF5;
	p2 =	por !p2, p0  }
0x20: {  	[sflag:s8] =	ssyncset.s32 @!p0 $0xFFFFF086;
	s6 =	sadd.s32 @!p0 s3, s7;
	s7 =	simm.s32 @!p0 $0x108  }
0x21: {  	s3 =	sadd.s32 s3, s9;
	s6 =	sadd.s32 @!p0 $0x88, s6;
	s7 =	simm.s32 @p2 $0x1082  }
0x22: {  	[simem:s7], [sflag:s8] =	dma.local @!p0 [hbm:s6], $0xF7A  }
0x23: {  	s9 =	sor.u32 $0xD0000000, s2;
	s6 =	simm.s32 $0x108;
	_ =	swait.ge @!p0 [sflag:s8], $0x0  }
0x24: {  	s3 =	sadd.s32 $0x88, s3;
	s6 =	simm.s32 @!p1 $0x1082;
	[sflag:s4] =	ssyncset.s32 $0xFFFFF086  }
0x25: {  	[simem:s6], [sflag:s4] =	dma.local [hbm:s3], $0xF7A  }
0x26: {  	[smem:$0x3F9F] =	sst s1;
	(tag) =	ssettag s2;
	_ =	strace s9  }
0x27: {  	s1 =	sld [smem:$0x3FAF]  }
0x28: {  	s2 =	sld [smem:$0x3FB0]  }
0x29: {  	s4 =	sld [smem:$0x3FB2]  }
0x2a: {  	p0 =	seq.s32 s5, $0x0;
	s5 =	sld [smem:$0x3FB3]  }
0x2b: {  	s6 =	sld [smem:$0x3FB4]  }
0x2c: {  	s7 =	sld [smem:$0x3FB5]  }
0x2d: {  	s3 =	simm.s32 $0x108;
	s8 =	sld [smem:$0x3FB6]  }
0x2e: {  	s3 =	simm.s32 @!p0 $0x1082;
	s9 =	sld [smem:$0x3FB7]  }
0x2f: {  	lr =	sadd.s32 s0, s3;
	s0 =	sld [smem:$0x3FAE]  }
0x30: {  	s3 =	sld [smem:$0x3FB1]  }
0x31: {  	[smem:$0x3FBA] =	sst s10  }
0x32: {  	s10 =	sld [smem:$0x3FB8];
	_ =	sdelay $0x3  }
0x33: {  	p0 =	seq.s32 s10, $0x1;
	s10 =	sld [smem:$0x3FBA];
	_ =	sdelay $0x3  }
0x34: {  	[smem:$0x3FBA] =	sst s10  }
0x35: {  	s10 =	sld [smem:$0x3FB9];
	_ =	sdelay $0x3  }
0x36: {  	p1 =	seq.s32 s10, $0x1;
	s10 =	sld [smem:$0x3FBA];
	_ =	sdelay $0x3  }
0x37: {  	[smem:$0x3FBA] =	sst s10  }
0x38: {  	s10 =	sld [smem:$0x3FBB]  }
0x39: {  	_ = 	snop;
	(pc) =	sbr.ind lr, $3  }
0x3a: {  	_ = 	snop  }
0x3b: {  	_ = 	snop  }
0x3c: {  	p2 =	seq.s32 s10, $0x1;
	s10 =	sld [smem:$0x3FBA]  }
0x3d: {  	_ =	shalt  }
0x3e: {  	_ =	shalt  }
0x3f: {  	_ =	shalt  }
0x40: {  	_ =	shalt  }
0x41: {  	_ =	shalt  }
0x42: {  	_ =	shalt  }
0x43: {  	_ =	shalt  }
0x44: {  	_ =	shalt  }
0x45: {  	_ =	shalt  }
0x46: {  	_ =	shalt  }
0x47: {  	_ =	shalt  }
0x48: {  	_ =	shalt  }
0x49: {  	_ =	shalt  }
0x4a: {  	_ =	shalt  }
0x4b: {  	_ =	shalt  }
0x4c: {  	_ =	shalt  }
0x4d: {  	_ =	shalt  }
0x4e: {  	_ =	shalt  }
0x4f: {  	_ =	shalt  }
0x50: {  	_ =	shalt  }
0x51: {  	_ =	shalt  }
0x52: {  	_ =	shalt  }
0x53: {  	_ =	shalt  }
0x54: {  	_ =	shalt  }
0x55: {  	_ =	shalt  }
0x56: {  	_ =	shalt  }
0x57: {  	_ =	shalt  }
0x58: {  	_ =	shalt  }
0x59: {  	_ =	shalt  }
0x5a: {  	_ =	shalt  }
0x5b: {  	_ =	shalt  }
0x5c: {  	_ =	shalt  }
0x5d: {  	_ =	shalt  }
0x5e: {  	_ =	shalt  }
0x5f: {  	_ =	shalt  }
0x60: {  	_ =	shalt  }
0x61: {  	_ =	shalt  }
0x62: {  	_ =	shalt  }
0x63: {  	_ =	shalt  }
0x64: {  	_ =	shalt  }
0x65: {  	_ =	shalt  }
0x66: {  	_ =	shalt  }
0x67: {  	_ =	shalt  }
0x68: {  	_ =	shalt  }
0x69: {  	_ =	shalt  }
0x6a: {  	_ =	shalt  }
0x6b: {  	_ =	shalt  }
0x6c: {  	_ =	shalt  }
0x6d: {  	_ =	shalt  }
0x6e: {  	_ =	shalt  }
0x6f: {  	_ =	shalt  }
0x70: {  	_ =	shalt  }
0x71: {  	_ =	shalt  }
0x72: {  	_ =	shalt  }
0x73: {  	_ =	shalt  }
0x74: {  	_ =	shalt  }
0x75: {  	_ =	shalt  }
0x76: {  	_ =	shalt  }
0x77: {  	_ =	shalt  }
0x78: {  	_ =	shalt  }
0x79: {  	_ =	shalt  }
0x7a: {  	_ =	shalt  }
0x7b: {  	_ =	shalt  }
0x7c: {  	_ =	shalt  }
0x7d: {  	_ =	shalt  }
0x7e: {  	_ =	shalt  }
0x7f: {  	_ =	shalt  }
0x80: {  	_ =	shalt  }
0x81: {  	_ =	shalt  }
0x82: {  	_ =	shalt  }
0x83: {  	_ =	shalt  }
0x84: {  	_ =	shalt  }
0x85: {  	_ =	shalt  }
0x86: {  	_ =	shalt  }
0x87: {  	_ =	shalt  }
.Lfunc_end0:
.L_simem_size_0:
called_computation_lowered:
.L_overlay_start_0:
0x88: {  	s2 =	sld [smem:$0x3FD9]  }
0x89: {  	s3 =	sld [smem:$0x3FFE];
	_ =	sdelay $0x1  }
0x8a: {  	s1 =	srdreg.scid  }
0x8b: {  	s0 =	sand.u32 $0x1, s1  }
0x8c: {  	s17 =	sshll.u32 s0, $0xA;
	s2 =	sadd.s32 s3, s2  }
0x8d: {  	s2 =	sadd.s32 s2, s17  }
0x8e: {  	[smem:$0x3FC6] =	sst s2  }
0x8f: {  	_ = 	snop  }
0x90: {  	s2 =	sld [smem:$0x3FC8]  }
0x91: {  	s18 =	sld [smem:$0x3FD0];
	(tm) =	ssettm $0x1  }
0x92: {  	s4 =	sld [smem:$0x3FFB];
	_ =	sdelay $0x3  }
0x93: {  	_ =	strace s4  }
0x94: {  	s4 =	sld [smem:$0x3FFC];
	_ =	sdelay $0x3  }
0x95: {  	_ =	strace s4  }
0x96: {  	s4 =	sld [smem:$0x3FFD];
	_ =	sdelay $0x3  }
0x97: {  	_ =	strace s4  }
0x98: {  	_ =	strace $0x8FFFFFFF  }
0x99: {  	s19 =	sld [smem:$0x3FDB];
	_ =	sdelay $0x1  }
0x9a: {  	s5 =	simm.s32 $_scs_section_size  }
0x9b: {  	s6 =	simm.s32 $_size__tile_overlayer_lowered;
	s7 =	simm.s32 $_tile_overlayer_lowered  }
0x9c: {  	s22 =	simm.s32 $0x1BFF;
	s21 =	sshll.u32 s7, $0x1;
	s4 =	sadd.s32 s5, s19  }
0x9d: {  	s8 =	simm.s32 $0x0;
	s20 =	sshll.u32 s6, $0x1;
	s6 =	sadd.s32 s21, s4  }
0x9e: {  	[timem:s8], [sflag:s22] =	dma.local [hbm:s6], s20  }
0x9f: {  	_ =	swait.ge [sflag:s22], s20  }
0xa0: {  	s5 =	ssub.s32 $0x0, s20;
	[sflag:s22] =	ssyncset.done $0x0  }
0xa1: {  	[sflag:s22] =	ssyncadd.s32 s5;
	_ =	sdelay $0x1  }
0xa2: {  	s23 =	simm.s32 $0x1B8B  }
0xa3: {  	_ =	swait.ge [sflag:s23], $0x1  }
0xa4: {  	[sflag:s23] =	ssyncset.done $0x0  }
0xa5: {  	s25 =	simm.s32 $0x1B8E;
	s24 =	sld [smem:$0x3FFE];
	[sflag:s23] =	ssyncadd.s32 $0xFFFFFFFF  }
0xa6: {  	s26 =	simm.s32 $execute0_lowered;
	[smem:$0x3FD2] =	sst s25  }
0xa7: {  	s6 =	sshll.u32 s26, $0x1;
	_ =	strace $0x80000046;
	[dreg:$0x1] =	wrdreg $0xFFFFFFFF  }
0xa8: {  	s28 =	simm.s32 $_size_execute0_lowered;
	s4 =	sadd.s32 s4, s6;
	[dreg:$0x0] =	wrdreg $0x0  }
0xa9: {  	s6 =	sshll.u32 s28, $0x1;
	[dreg:$0x2] =	wrdreg s4  }
0xaa: {  	[dreg:$0x3] =	wrdreg s6  }
0xab: {  	[dreg:$0x4] =	wrdreg $0xC0  }
0xac: {  	_ =	task [dreg:s8], $0x5FFFF  }
0xad: {  	[dreg:$0x1] =	wrdreg $0xFFFFFFFF  }
0xae: {  	[dreg:$0x0] =	wrdreg $0x60  }
0xaf: {  	[dreg:$0x2] =	wrdreg s24  }
0xb0: {  	[dreg:$0x3] =	wrdreg s2  }
0xb1: {  	[dreg:$0x4] =	wrdreg s18  }
0xb2: {  	[dreg:$0x5] =	wrdreg $0x9  }
0xb3: {  	_ =	task.clear_ibuf [dreg:s8], $0x6FFFF;
	_ =	strace $0x90000046  }
0xb4: {  	s29 =	simm.s32 $0x9;
	_ =	strace $0x80000048  }
0xb5: {  	_ =	swait.ge [sflag:s29], $0x1  }
0xb6: {  	[sflag:s29] =	ssyncadd.s32 $0xFFFFFFFF  }
0xb7: {  	_ =	strace $0x90000048  }
0xb8: {  	_ =	sfence  }
0xb9: {  	s30 =	sld [smem:$0x0];
	_ =	sdelay $0x2  }
0xba: {  	s31 =	sshll.u32 s1, $0xD;
	s1 =	sshrl.u32 s1, $0x2  }
0xbb: {  	s3 =	sand.u32 $0x4000, s31;
	s1 =	sadd.s32 s1, s30  }
0xbc: {  	s0 =	sor.u32 s3, s0;
	s1 =	sshll.u32 s1, $0x11  }
0xbd: {  	s0 =	sor.u32 s1, s0  }
0xbe: {  	s0 =	sadd.s32 $0x8F2B, s0  }
0xbf: {  	[sflag:s0] =	ssyncadd.remote.s32 $0x1  }
0xc0: {  	_ =	sfence.sel $0xFFFF  }
0xc1: {  	[dreg:$0x0] =	wrdreg $0xFFFFFFFF;
	(pc) =	sbr.abs _section_cstart, $3  }
0xc2: {  	[dreg:$0x1] =	wrdreg $0xFFFFFFFF  }
0xc3: {  	_ =	task.clear_ibuf [dreg:s8], $0x2FFFF;
	_ =	strace $0x9FFFFFFF  }
0xc4: {  	(tm) =	ssettm $0x7FFFFFFF  }
0xc5: {  	_ =	shalt  }
tec
execute0_lowered:
.L_overlay_start_1:
0x0: {  	(tag) =	ssettag $0x1  }
0x1: {  	s2 =	rddreg [dreg:$0x0]  }
0x2: {  	s3 =	rddreg [dreg:$0x1];
	s0 =	srdreg.scid  }
0x3: {  	s1 =	stileid.u32;
	s4 =	rddreg [dreg:$0x2];
	s5 =	simm.s32 $0x0  }
0x4: {  	s28 =	simm.s32 $0x1E80;
	s30 =	simm.s32 $0x5E80;
	s10 =	simm.s32 $0x5  }
0x5: {  	s20 =	simm.s32 $0x11E80;
	s11 =	simm.s32 $0x6;
	s21 =	simm.s32 $0xB  }
0x6: {  	s12 =	simm.s32 $0xC;
	s22 =	simm.s32 $0xD;
	s13 =	simm.s32 $0xE  }
0x7: {  	s18 =	simm.s32 $0x0;
	s0 =	sand.u32 $0x1, s0;
	s1 =	sshll.u32 s1, $0x1  }
0x8: {  	[smem:$0x7FF] =	sst s5;
	s1 =	sor.u32 s0, s1;
	s0 =	ssub.s32 $0x2, s0  }
0x9: {  	s7 =	sadd.s32 $0x400, s2;
	s6 =	smul.u32 $0x1C00, s1;
	s24 =	sshrl.u32 s0, $0x1  }
0xa: {  	s2 =	simm.s32 $0x9E80;
	_ =	strace $0x80000047;
	s0 =	ssub.s32 s0, s24  }
0xb: {  	s8 =	smul.u32 $0x32, s1;
	s9 =	sshrl.u32 s6, $0x3;
	s0 =	smax.u32 s0, $0x1  }
0xc: {  	s24 =	simm.s32 $0x1E00;
	s25 =	sadd.s32 s7, s9;
	[dreg:$0x9] =	wrdreg s0  }
0xd: {  	s14 =	sor.u32 $0x1, s8;
	s26 =	sadd.s32 $0x10, s25;
	[dreg:$0x4] =	wrdreg s25  }
0xe: {  	s15 =	sadd.s32 $0x2, s8;
	s29 =	sadd.s32 $0x20, s25;
	[dreg:$0x5] =	wrdreg s26  }
0xf: {  	s16 =	sadd.s32 $0x3, s8;
	s31 =	sadd.s32 $0x30, s25;
	[dreg:$0x6] =	wrdreg s29  }
0x10: {  	s17 =	sadd.s32 $0x4, s8;
	s1 =	sadd.s32 $0x40, s25;
	[dreg:$0x7] =	wrdreg s31  }
0x11: {  	[dreg:$0x8] =	wrdreg s1;
	s26 =	simm.s32 $0x80;
	s1 =	simm.s32 $0xDE80  }
.LBB2_1:
0x12: {  	s0 =	rddreg [dreg:$0x0];
	s19 =	simm.s32 $0x10  }
0x13: {  	[tilespmem:s5], [sflag:$0x10] =	stream.linear.gather [hbm4b:s0+s5], $0x1900, $0x38;
	[tilespmem:$0x15E80] =	vst v63  }
0x14: {  	_ =	swait.ge [sflag:s19], $0x1900  }
0x15: {  	[sflag:s19] =	ssyncset.done $0x0  }
0x16: {  	s9 =	simm.s32 $0x1C00;
	s23 =	rddreg [dreg:$0x4];
	[sflag:s19] =	ssyncadd.s32 $0xFFFFE700  }
0x17: {  	[tilespmem:s9], [sflag:$0x1] =	stream.linear.gather [hbm4b:s23+s5], $0x80, $0x38;
	[tilespmem:$0x15E80] =	vst v63  }
0x18: {  	s25 =	rddreg [dreg:$0x5];
	s19 =	simm.s32 $0x1C80  }
0x19: {  	[tilespmem:s19], [sflag:$0x2] =	stream.linear.gather [hbm4b:s25+s5], $0x80, $0x38;
	[tilespmem:$0x15E80] =	vst v63  }
0x1a: {  	s29 =	rddreg [dreg:$0x6];
	s23 =	simm.s32 $0x1D00  }
0x1b: {  	[tilespmem:s23], [sflag:$0x3] =	stream.linear.gather [hbm4b:s29+s5], $0x80, $0x38;
	[tilespmem:$0x15E80] =	vst v63  }
0x1c: {  	s31 =	rddreg [dreg:$0x7];
	s25 =	simm.s32 $0x1D80  }
0x1d: {  	[tilespmem:s25], [sflag:$0x4] =	stream.linear.gather [hbm4b:s31+s5], $0x80, $0x38;
	[tilespmem:$0x15E80] =	vst v63  }
0x1e: {  	s29 =	rddreg [dreg:$0x8];
	s31 =	simm.s32 $0x1  }
0x1f: {  	[tilespmem:s24], [sflag:$0x5] =	stream.linear.gather [hbm4b:s29+s5], $0x80, $0x38;
	[tilespmem:$0x15E80] =	vst v63  }
0x20: {  	_ =	swait.ge [sflag:s31], $0x80  }
0x21: {  	[sflag:s31] =	ssyncset.done $0x0  }
0x22: {  	[sflag:s31] =	ssyncadd.s32 $0xFFFFFF80  }
0x23: {  	[tilespmem:s28], [sflag:$0x6] =	stream.indirect.gather [hbm4b:s3+s26], $0x80, s9, s26, $0xb8;
	[tilespmem:$0x15E80] =	vst v63  }
0x24: {  	s9 =	simm.s32 $0x2  }
0x25: {  	_ =	swait.ge [sflag:s9], $0x80  }
0x26: {  	[sflag:s9] =	ssyncset.done $0x0  }
0x27: {  	s29 =	simm.s32 $0x3;
	[sflag:s9] =	ssyncadd.s32 $0xFFFFFF80  }
0x28: {  	[tilespmem:s30], [sflag:$0x7] =	stream.indirect.gather [hbm4b:s3+s26], $0x80, s19, s26, $0xb8;
	[tilespmem:$0x15E80] =	vst v63  }
0x29: {  	_ =	swait.ge [sflag:s29], $0x80  }
0x2a: {  	[sflag:s29] =	ssyncset.done $0x0  }
0x2b: {  	s31 =	simm.s32 $0x4;
	[sflag:s29] =	ssyncadd.s32 $0xFFFFFF80  }
0x2c: {  	[tilespmem:s2], [sflag:$0x8] =	stream.indirect.gather [hbm4b:s3+s26], $0x80, s23, s26, $0xb8;
	[tilespmem:$0x15E80] =	vst v63  }
0x2d: {  	_ =	swait.ge [sflag:s31], $0x80  }
0x2e: {  	[sflag:s31] =	ssyncset.done $0x0  }
0x2f: {  	s9 =	simm.s32 $0x0;
	[sflag:s31] =	ssyncadd.s32 $0xFFFFFF80  }
0x30: {  	[tilespmem:s1], [sflag:$0x9] =	stream.indirect.gather [hbm4b:s3+s26], $0x80, s25, s26, $0xb8;
	[tilespmem:$0x15E80] =	vst v63  }
.LBB2_2:
0x31: {  	p0 =	seq.s32 s9, $0x0  }
0x32: {  	s0 =	simm.s32 @!p0 $0xF  }
0x33: {  	_ =	swait.ge @!p0 [sflag:s0], $0x4000  }
0x34: {  	[sflag:s0] =	ssyncset.done @!p0 $0x0  }
0x35: {  	[sflag:s0] =	ssyncadd.s32 @!p0 $0xFFFFC000;
	p0 =	seq.s32 s9, $0x9  }
0x36: {  	_ =	swait.ge [sflag:s10], $0x80;
	s0 =	smul.u32 @!p0 $0x280, s9  }
0x37: {  	[sflag:s10] =	ssyncset.done $0x0  }
0x38: {  	[sflag:s10] =	ssyncadd.s32 $0xFFFFFF80;
	s0 =	sadd.s32 @!p0 $0x280, s0  }
0x39: {  	[tilespmem:s20], [sflag:$0xA] =	stream.indirect.gather [hbm4b:s3+s26], $0x80, s24, s26, $0xb8;
	[tilespmem:$0x15E80] =	vst v63  }
0x3a: {  	s19 =	sand.u32 @!p0 $0x7C00, s0  }
0x3b: {  	s0 =	sand.u32 @!p0 $0x380, s0;
	s19 =	sadd.s32 @!p0 s6, s19  }
0x3c: {  	s23 =	simm.s32 @!p0 $0x0;
	_ =	swait.ge [sflag:s11], $0x4000;
	s0 =	sor.u32 @!p0 s0, s19  }
0x3d: {  	s25 =	simm.s32 @!p0 $0x1C00;
	[sflag:s11] =	ssyncset.done $0x0;
	s0 =	sshrl.u32 @!p0 s0, $0x3  }
0x3e: {  	s19 =	smul.u32 $0x5, s9;
	[sflag:s11] =	ssyncadd.s32 $0xFFFFC000;
	s0 =	sadd.s32 @!p0 s7, s0  }
0x3f: {  	[tilespmem:s25], [sflag:$0x1] =	stream.linear.gather @!p0 [hbm4b:s0+s23], $0x80, $0x38;
	[tilespmem:$0x15E80] =	vst v63  }
0x40: {  	s25 =	sadd.s32 s8, s19  }
0x41: {  	s23 =	sshll.u32 s25, $0x2  }
0x42: {  	s0 =	sand.u32 $0x3FFFFF80, s23  }
0x43: {  	v3 =	vld [tilespmem:s0+$0x0]  }
0x44: {  	v4 =	vld [tilespmem:s0+$0x10]  }
0x45: {  	v5 =	vld [tilespmem:s0+$0x20]  }
0x46: {  	v7 =	vld [tilespmem:s0+$0x70]  }
0x47: {  	v6 =	vld [tilespmem:s0+$0x30]  }
0x48: {  	v2 =	vld [tilespmem:s0+$0x40]  }
0x49: {  	v1 =	vld [tilespmem:s0+$0x50]  }
0x4a: {  	s31 =	simm.s32 $0x0;
	s29 =	sshrl.u32 s25, $0x5;
	v0 =	vld [tilespmem:s0+$0x60];
	s0 =	simm.s32 $0x400  }
.LBB2_3:
0x4b: {  	p0 =	sne.s32 s0, $0xFC00;
	[tilespmem:s31+$0x1F70] =	vst.add.f32.msk $0xffff, v7  }
0x4c: {  	[tilespmem:s31+$0x1E80] =	vst.add.f32.msk $0xffff, v3  }
0x4d: {  	[tilespmem:s31+$0x1E90] =	vst.add.f32.msk $0xffff, v4  }
0x4e: {  	[tilespmem:s31+$0x1EA0] =	vst.add.f32.msk $0xffff, v5  }
0x4f: {  	[tilespmem:s31+$0x1EB0] =	vst.add.f32.msk $0xffff, v6  }
0x50: {  	[tilespmem:s31+$0x1EC0] =	vst.add.f32.msk $0xffff, v2  }
0x51: {  	[tilespmem:s31+$0x1ED0] =	vst.add.f32.msk $0xffff, v1  }
0x52: {  	[tilespmem:s31+$0x1EE0] =	vst.add.f32.msk $0xffff, v0  }
0x53: {  	[tilespmem:s31+$0x1EF0] =	vst.add.f32.msk $0xffff, v7  }
0x54: {  	[tilespmem:s31+$0x1F00] =	vst.add.f32.msk $0xffff, v3  }
0x55: {  	[tilespmem:s31+$0x1F10] =	vst.add.f32.msk $0xffff, v4  }
.Ltmp0:
0x56: {  	[tilespmem:s31+$0x1F20] =	vst.add.f32.msk $0xffff, v5;
	(pc) =	sbr.rel @p0 .LBB2_3-.Ltmp0, $4  }
0x57: {  	[tilespmem:s31+$0x1F30] =	vst.add.f32.msk $0xffff, v6  }
0x58: {  	[tilespmem:s31+$0x1F40] =	vst.add.f32.msk $0xffff, v2  }
0x59: {  	[tilespmem:s31+$0x1F50] =	vst.add.f32.msk $0xffff, v1  }
0x5a: {  	[tilespmem:s31+$0x1F60] =	vst.add.f32.msk $0xffff, v0;
	s31 =	sshra.s32 s0, $0x2;
	s0 =	sadd.s32 $0x400, s0  }
0x5b: {  	[tilespmem:s31+$0x1F70] =	vst.add.f32.msk $0xffff, v7  }
0x5c: {  	[tilespmem:s31+$0x1E80] =	vst.add.f32.msk $0xffff, v3  }
0x5d: {  	[tilespmem:s31+$0x1E90] =	vst.add.f32.msk $0xffff, v4  }
0x5e: {  	[tilespmem:s31+$0x1EA0] =	vst.add.f32.msk $0xffff, v5  }
0x5f: {  	[tilespmem:s31+$0x1EB0] =	vst.add.f32.msk $0xffff, v6  }
0x60: {  	[tilespmem:s31+$0x1EC0] =	vst.add.f32.msk $0xffff, v2  }
0x61: {  	[tilespmem:s31+$0x1ED0] =	vst.add.f32.msk $0xffff, v1  }
0x62: {  	[tilespmem:s31+$0x1EE0] =	vst.add.f32.msk $0xffff, v0  }
0x63: {  	[tilespmem:s31+$0x1EF0] =	vst.add.f32.msk $0xffff, v7  }
0x64: {  	[tilespmem:s31+$0x1F00] =	vst.add.f32.msk $0xffff, v3  }
0x65: {  	[tilespmem:s31+$0x1F10] =	vst.add.f32.msk $0xffff, v4  }
0x66: {  	[tilespmem:s31+$0x1F20] =	vst.add.f32.msk $0xffff, v5  }
0x67: {  	[tilespmem:s31+$0x1F30] =	vst.add.f32.msk $0xffff, v6;
	s0 =	sshll.u32 s25, $0xB  }
0x68: {  	[tilespmem:s31+$0x1F40] =	vst.add.f32.msk $0xffff, v2;
	s0 =	sand.u32 $0xF800, s0  }
0x69: {  	[tilespmem:s31+$0x1F50] =	vst.add.f32.msk $0xffff, v1;
	s23 =	sshll.u32 s29, $0x10;
	s0 =	sadd.s32 s4, s0  }
0x6a: {  	[tilespmem:s31+$0x1F60] =	vst.add.f32.msk $0xffff, v0;
	s0 =	sadd.s32 s23, s0  }
0x6b: {  	[hbm4b:s0+s5] =	stream.linear.scatter [tilespmem:s28], [sflag:$0xB], $0x4000, $0x38;
	[tilespmem:$0x15E80] =	vst v63  }
0x6c: {  	_ =	swait.ge [sflag:s21], $0x4000  }
0x6d: {  	p0 =	sne.s32 s9, $0x9;
	[sflag:s21] =	ssyncset.done $0x0  }
0x6e: {  	s0 =	simm.s32 @p0 $0x1;
	[sflag:s21] =	ssyncadd.s32 $0xFFFFC000  }
0x6f: {  	_ =	swait.ge @p0 [sflag:s0], $0x80  }
0x70: {  	s29 =	simm.s32 @p0 $0x1E80;
	s25 =	smul.u32 @p0 $0x280, s9;
	[sflag:s0] =	ssyncset.done @p0 $0x0  }
0x71: {  	s23 =	simm.s32 @p0 $0x1C00;
	[sflag:s0] =	ssyncadd.s32 @p0 $0xFFFFFF80;
	s0 =	simm.s32 @p0 $0x80  }
0x72: {  	[tilespmem:s29], [sflag:$0x6] =	stream.indirect.gather @p0 [hbm4b:s3+s0], $0x80, s23, s0, $0xb8;
	[tilespmem:$0x15E80] =	vst v63  }
0x73: {  	s0 =	sadd.s32 @p0 $0x300, s25  }
0x74: {  	s23 =	simm.s32 @p0 $0x7;
	s29 =	sand.u32 @p0 $0x7C00, s0  }
0x75: {  	_ =	swait.ge @p0 [sflag:s23], $0x4000;
	s0 =	sand.u32 @p0 $0x380, s0;
	s29 =	sadd.s32 @p0 s6, s29  }
0x76: {  	[sflag:s23] =	ssyncset.done @p0 $0x0;
	s0 =	sor.u32 @p0 s0, s29  }
0x77: {  	[sflag:s23] =	ssyncadd.s32 @p0 $0xFFFFC000;
	s0 =	sshrl.u32 @p0 s0, $0x3  }
0x78: {  	s23 =	simm.s32 @p0 $0x0;
	s29 =	simm.s32 @p0 $0x1C80;
	s0 =	sadd.s32 @p0 s7, s0  }
0x79: {  	[tilespmem:s29], [sflag:$0x2] =	stream.linear.gather @p0 [hbm4b:s0+s23], $0x80, $0x38;
	[tilespmem:$0x15E80] =	vst v63  }
0x7a: {  	s0 =	simm.s32 @!p0 $0x7  }
0x7b: {  	s29 =	sadd.s32 s19, s14;
	_ =	swait.ge @!p0 [sflag:s0], $0x4000  }
0x7c: {  	s23 =	sshll.u32 s29, $0x2;
	[sflag:s0] =	ssyncset.done @!p0 $0x0  }
0x7d: {  	s23 =	sand.u32 $0x3FFFFF80, s23;
	[sflag:s0] =	ssyncadd.s32 @!p0 $0xFFFFC000  }
0x7e: {  	v3 =	vld [tilespmem:s23+$0x0]  }
0x7f: {  	v4 =	vld [tilespmem:s23+$0x10]  }
0x80: {  	v5 =	vld [tilespmem:s23+$0x20]  }
0x81: {  	v7 =	vld [tilespmem:s23+$0x70]  }
0x82: {  	v6 =	vld [tilespmem:s23+$0x30]  }
0x83: {  	v2 =	vld [tilespmem:s23+$0x40]  }
0x84: {  	v1 =	vld [tilespmem:s23+$0x50]  }
0x85: {  	s31 =	sshrl.u32 s29, $0x5;
	s0 =	simm.s32 $0x0;
	v0 =	vld [tilespmem:s23+$0x60];
	s23 =	simm.s32 $0x400  }
.LBB2_5:
0x86: {  	p1 =	sne.s32 s23, $0xFC00;
	[tilespmem:s0+$0x5F70] =	vst.add.f32.msk $0xffff, v7  }
0x87: {  	[tilespmem:s0+$0x5E80] =	vst.add.f32.msk $0xffff, v3  }
0x88: {  	[tilespmem:s0+$0x5E90] =	vst.add.f32.msk $0xffff, v4  }
0x89: {  	[tilespmem:s0+$0x5EA0] =	vst.add.f32.msk $0xffff, v5  }
0x8a: {  	[tilespmem:s0+$0x5EB0] =	vst.add.f32.msk $0xffff, v6  }
0x8b: {  	[tilespmem:s0+$0x5EC0] =	vst.add.f32.msk $0xffff, v2  }
0x8c: {  	[tilespmem:s0+$0x5ED0] =	vst.add.f32.msk $0xffff, v1  }
0x8d: {  	[tilespmem:s0+$0x5EE0] =	vst.add.f32.msk $0xffff, v0  }
0x8e: {  	[tilespmem:s0+$0x5EF0] =	vst.add.f32.msk $0xffff, v7  }
0x8f: {  	[tilespmem:s0+$0x5F00] =	vst.add.f32.msk $0xffff, v3  }
0x90: {  	[tilespmem:s0+$0x5F10] =	vst.add.f32.msk $0xffff, v4  }
.Ltmp1:
0x91: {  	[tilespmem:s0+$0x5F20] =	vst.add.f32.msk $0xffff, v5;
	(pc) =	sbr.rel @p1 .LBB2_5-.Ltmp1, $4  }
0x92: {  	[tilespmem:s0+$0x5F30] =	vst.add.f32.msk $0xffff, v6  }
0x93: {  	[tilespmem:s0+$0x5F40] =	vst.add.f32.msk $0xffff, v2  }
0x94: {  	[tilespmem:s0+$0x5F50] =	vst.add.f32.msk $0xffff, v1  }
0x95: {  	[tilespmem:s0+$0x5F60] =	vst.add.f32.msk $0xffff, v0;
	s0 =	sshra.s32 s23, $0x2;
	s23 =	sadd.s32 $0x400, s23  }
0x96: {  	[tilespmem:s0+$0x5F70] =	vst.add.f32.msk $0xffff, v7  }
0x97: {  	[tilespmem:s0+$0x5E80] =	vst.add.f32.msk $0xffff, v3  }
0x98: {  	[tilespmem:s0+$0x5E90] =	vst.add.f32.msk $0xffff, v4  }
0x99: {  	[tilespmem:s0+$0x5EA0] =	vst.add.f32.msk $0xffff, v5  }
0x9a: {  	[tilespmem:s0+$0x5EB0] =	vst.add.f32.msk $0xffff, v6  }
0x9b: {  	[tilespmem:s0+$0x5EC0] =	vst.add.f32.msk $0xffff, v2  }
0x9c: {  	[tilespmem:s0+$0x5ED0] =	vst.add.f32.msk $0xffff, v1  }
0x9d: {  	[tilespmem:s0+$0x5EE0] =	vst.add.f32.msk $0xffff, v0  }
0x9e: {  	[tilespmem:s0+$0x5EF0] =	vst.add.f32.msk $0xffff, v7  }
0x9f: {  	[tilespmem:s0+$0x5F00] =	vst.add.f32.msk $0xffff, v3  }
0xa0: {  	[tilespmem:s0+$0x5F10] =	vst.add.f32.msk $0xffff, v4  }
0xa1: {  	[tilespmem:s0+$0x5F20] =	vst.add.f32.msk $0xffff, v5  }
0xa2: {  	[tilespmem:s0+$0x5F30] =	vst.add.f32.msk $0xffff, v6;
	s23 =	sshll.u32 s29, $0xB  }
0xa3: {  	[tilespmem:s0+$0x5F40] =	vst.add.f32.msk $0xffff, v2;
	s23 =	sand.u32 $0xF800, s23  }
0xa4: {  	[tilespmem:s0+$0x5F50] =	vst.add.f32.msk $0xffff, v1;
	s29 =	sshll.u32 s31, $0x10;
	s23 =	sadd.s32 s4, s23  }
0xa5: {  	[tilespmem:s0+$0x5F60] =	vst.add.f32.msk $0xffff, v0;
	s23 =	sadd.s32 s29, s23  }
0xa6: {  	[hbm4b:s23+s5] =	stream.linear.scatter [tilespmem:s30], [sflag:$0xC], $0x4000, $0x38;
	[tilespmem:$0x15E80] =	vst v63  }
0xa7: {  	_ =	swait.ge [sflag:s12], $0x4000  }
0xa8: {  	[sflag:s12] =	ssyncset.done $0x0  }
0xa9: {  	s0 =	simm.s32 @p0 $0x2;
	[sflag:s12] =	ssyncadd.s32 $0xFFFFC000  }
0xaa: {  	_ =	swait.ge @p0 [sflag:s0], $0x80  }
0xab: {  	s29 =	simm.s32 @p0 $0x5E80;
	[sflag:s0] =	ssyncset.done @p0 $0x0  }
0xac: {  	s23 =	simm.s32 @p0 $0x1C80;
	[sflag:s0] =	ssyncadd.s32 @p0 $0xFFFFFF80;
	s0 =	simm.s32 @p0 $0x80  }
0xad: {  	[tilespmem:s29], [sflag:$0x7] =	stream.indirect.gather @p0 [hbm4b:s3+s0], $0x80, s23, s0, $0xb8;
	[tilespmem:$0x15E80] =	vst v63  }
0xae: {  	s0 =	sadd.s32 @p0 $0x380, s25  }
0xaf: {  	s23 =	simm.s32 @p0 $0x8;
	s29 =	sand.u32 @p0 $0x7C00, s0  }
0xb0: {  	_ =	swait.ge @p0 [sflag:s23], $0x4000;
	s0 =	sand.u32 @p0 $0x380, s0;
	s29 =	sadd.s32 @p0 s6, s29  }
0xb1: {  	[sflag:s23] =	ssyncset.done @p0 $0x0;
	s0 =	sor.u32 @p0 s0, s29  }
0xb2: {  	[sflag:s23] =	ssyncadd.s32 @p0 $0xFFFFC000;
	s0 =	sshrl.u32 @p0 s0, $0x3  }
0xb3: {  	s23 =	simm.s32 @p0 $0x0;
	s29 =	simm.s32 @p0 $0x1D00;
	s0 =	sadd.s32 @p0 s7, s0  }
0xb4: {  	[tilespmem:s29], [sflag:$0x3] =	stream.linear.gather @p0 [hbm4b:s0+s23], $0x80, $0x38;
	[tilespmem:$0x15E80] =	vst v63  }
0xb5: {  	s0 =	simm.s32 @!p0 $0x8  }
0xb6: {  	s29 =	sadd.s32 s19, s15;
	_ =	swait.ge @!p0 [sflag:s0], $0x4000  }
0xb7: {  	s23 =	sshll.u32 s29, $0x2;
	[sflag:s0] =	ssyncset.done @!p0 $0x0  }
0xb8: {  	s23 =	sand.u32 $0x3FFFFF80, s23;
	[sflag:s0] =	ssyncadd.s32 @!p0 $0xFFFFC000  }
0xb9: {  	v3 =	vld [tilespmem:s23+$0x0]  }
0xba: {  	v4 =	vld [tilespmem:s23+$0x10]  }
0xbb: {  	v5 =	vld [tilespmem:s23+$0x20]  }
0xbc: {  	v7 =	vld [tilespmem:s23+$0x70]  }
0xbd: {  	v6 =	vld [tilespmem:s23+$0x30]  }
0xbe: {  	v2 =	vld [tilespmem:s23+$0x40]  }
0xbf: {  	v1 =	vld [tilespmem:s23+$0x50]  }
0xc0: {  	s31 =	sshrl.u32 s29, $0x5;
	s0 =	simm.s32 $0x0;
	v0 =	vld [tilespmem:s23+$0x60];
	s23 =	simm.s32 $0x400  }
.LBB2_7:
0xc1: {  	p1 =	sne.s32 s23, $0xFC00;
	[tilespmem:s0+$0x9F70] =	vst.add.f32.msk $0xffff, v7  }
0xc2: {  	[tilespmem:s0+$0x9E80] =	vst.add.f32.msk $0xffff, v3  }
0xc3: {  	[tilespmem:s0+$0x9E90] =	vst.add.f32.msk $0xffff, v4  }
0xc4: {  	[tilespmem:s0+$0x9EA0] =	vst.add.f32.msk $0xffff, v5  }
0xc5: {  	[tilespmem:s0+$0x9EB0] =	vst.add.f32.msk $0xffff, v6  }
0xc6: {  	[tilespmem:s0+$0x9EC0] =	vst.add.f32.msk $0xffff, v2  }
0xc7: {  	[tilespmem:s0+$0x9ED0] =	vst.add.f32.msk $0xffff, v1  }
0xc8: {  	[tilespmem:s0+$0x9EE0] =	vst.add.f32.msk $0xffff, v0  }
0xc9: {  	[tilespmem:s0+$0x9EF0] =	vst.add.f32.msk $0xffff, v7  }
0xca: {  	[tilespmem:s0+$0x9F00] =	vst.add.f32.msk $0xffff, v3  }
0xcb: {  	[tilespmem:s0+$0x9F10] =	vst.add.f32.msk $0xffff, v4  }
.Ltmp2:
0xcc: {  	[tilespmem:s0+$0x9F20] =	vst.add.f32.msk $0xffff, v5;
	(pc) =	sbr.rel @p1 .LBB2_7-.Ltmp2, $4  }
0xcd: {  	[tilespmem:s0+$0x9F30] =	vst.add.f32.msk $0xffff, v6  }
0xce: {  	[tilespmem:s0+$0x9F40] =	vst.add.f32.msk $0xffff, v2  }
0xcf: {  	[tilespmem:s0+$0x9F50] =	vst.add.f32.msk $0xffff, v1  }
0xd0: {  	[tilespmem:s0+$0x9F60] =	vst.add.f32.msk $0xffff, v0;
	s0 =	sshra.s32 s23, $0x2;
	s23 =	sadd.s32 $0x400, s23  }
0xd1: {  	[tilespmem:s0+$0x9F70] =	vst.add.f32.msk $0xffff, v7  }
0xd2: {  	[tilespmem:s0+$0x9E80] =	vst.add.f32.msk $0xffff, v3  }
0xd3: {  	[tilespmem:s0+$0x9E90] =	vst.add.f32.msk $0xffff, v4  }
0xd4: {  	[tilespmem:s0+$0x9EA0] =	vst.add.f32.msk $0xffff, v5  }
0xd5: {  	[tilespmem:s0+$0x9EB0] =	vst.add.f32.msk $0xffff, v6  }
0xd6: {  	[tilespmem:s0+$0x9EC0] =	vst.add.f32.msk $0xffff, v2  }
0xd7: {  	[tilespmem:s0+$0x9ED0] =	vst.add.f32.msk $0xffff, v1  }
0xd8: {  	[tilespmem:s0+$0x9EE0] =	vst.add.f32.msk $0xffff, v0  }
0xd9: {  	[tilespmem:s0+$0x9EF0] =	vst.add.f32.msk $0xffff, v7  }
0xda: {  	[tilespmem:s0+$0x9F00] =	vst.add.f32.msk $0xffff, v3  }
0xdb: {  	[tilespmem:s0+$0x9F10] =	vst.add.f32.msk $0xffff, v4  }
0xdc: {  	[tilespmem:s0+$0x9F20] =	vst.add.f32.msk $0xffff, v5  }
0xdd: {  	[tilespmem:s0+$0x9F30] =	vst.add.f32.msk $0xffff, v6;
	s23 =	sshll.u32 s29, $0xB  }
0xde: {  	[tilespmem:s0+$0x9F40] =	vst.add.f32.msk $0xffff, v2;
	s23 =	sand.u32 $0xF800, s23  }
0xdf: {  	[tilespmem:s0+$0x9F50] =	vst.add.f32.msk $0xffff, v1;
	s29 =	sshll.u32 s31, $0x10;
	s23 =	sadd.s32 s4, s23  }
0xe0: {  	[tilespmem:s0+$0x9F60] =	vst.add.f32.msk $0xffff, v0;
	s23 =	sadd.s32 s29, s23  }
0xe1: {  	[hbm4b:s23+s5] =	stream.linear.scatter [tilespmem:s2], [sflag:$0xD], $0x4000, $0x38;
	[tilespmem:$0x15E80] =	vst v63  }
0xe2: {  	_ =	swait.ge [sflag:s22], $0x4000  }
0xe3: {  	[sflag:s22] =	ssyncset.done $0x0  }
0xe4: {  	s0 =	simm.s32 @p0 $0x3;
	[sflag:s22] =	ssyncadd.s32 $0xFFFFC000  }
0xe5: {  	_ =	swait.ge @p0 [sflag:s0], $0x80  }
0xe6: {  	s29 =	simm.s32 @p0 $0x9E80;
	[sflag:s0] =	ssyncset.done @p0 $0x0  }
0xe7: {  	s23 =	simm.s32 @p0 $0x1D00;
	[sflag:s0] =	ssyncadd.s32 @p0 $0xFFFFFF80;
	s0 =	simm.s32 @p0 $0x80  }
0xe8: {  	[tilespmem:s29], [sflag:$0x8] =	stream.indirect.gather @p0 [hbm4b:s3+s0], $0x80, s23, s0, $0xb8;
	[tilespmem:$0x15E80] =	vst v63  }
0xe9: {  	s0 =	sadd.s32 @p0 $0x400, s25  }
0xea: {  	s23 =	simm.s32 @p0 $0x9;
	s0 =	sand.u32 @p0 $0x7C00, s0  }
0xeb: {  	s29 =	sand.u32 @p0 $0x380, s25;
	_ =	swait.ge @p0 [sflag:s23], $0x4000;
	s0 =	sadd.s32 @p0 s6, s0  }
0xec: {  	[sflag:s23] =	ssyncset.done @p0 $0x0;
	s0 =	sor.u32 @p0 s29, s0  }
0xed: {  	[sflag:s23] =	ssyncadd.s32 @p0 $0xFFFFC000;
	s0 =	sshrl.u32 @p0 s0, $0x3  }
0xee: {  	s23 =	simm.s32 @p0 $0x0;
	s29 =	simm.s32 @p0 $0x1D80;
	s0 =	sadd.s32 @p0 s7, s0  }
0xef: {  	[tilespmem:s29], [sflag:$0x4] =	stream.linear.gather @p0 [hbm4b:s0+s23], $0x80, $0x38;
	[tilespmem:$0x15E80] =	vst v63  }
0xf0: {  	s0 =	simm.s32 @!p0 $0x9  }
0xf1: {  	s29 =	sadd.s32 s19, s16;
	_ =	swait.ge @!p0 [sflag:s0], $0x4000  }
0xf2: {  	s23 =	sshll.u32 s29, $0x2;
	[sflag:s0] =	ssyncset.done @!p0 $0x0  }
0xf3: {  	s23 =	sand.u32 $0x3FFFFF80, s23;
	[sflag:s0] =	ssyncadd.s32 @!p0 $0xFFFFC000  }
0xf4: {  	v3 =	vld [tilespmem:s23+$0x0]  }
0xf5: {  	v4 =	vld [tilespmem:s23+$0x10]  }
0xf6: {  	v5 =	vld [tilespmem:s23+$0x20]  }
0xf7: {  	v7 =	vld [tilespmem:s23+$0x70]  }
0xf8: {  	v6 =	vld [tilespmem:s23+$0x30]  }
0xf9: {  	v2 =	vld [tilespmem:s23+$0x40]  }
0xfa: {  	v1 =	vld [tilespmem:s23+$0x50]  }
0xfb: {  	s31 =	sshrl.u32 s29, $0x5;
	s0 =	simm.s32 $0x0;
	v0 =	vld [tilespmem:s23+$0x60];
	s23 =	simm.s32 $0x400  }
.LBB2_9:
0xfc: {  	p1 =	sne.s32 s23, $0xFC00;
	[tilespmem:s0+$0xDF70] =	vst.add.f32.msk $0xffff, v7  }
0xfd: {  	[tilespmem:s0+$0xDE80] =	vst.add.f32.msk $0xffff, v3  }
0xfe: {  	[tilespmem:s0+$0xDE90] =	vst.add.f32.msk $0xffff, v4  }
0xff: {  	[tilespmem:s0+$0xDEA0] =	vst.add.f32.msk $0xffff, v5  }
0x100: {  	[tilespmem:s0+$0xDEB0] =	vst.add.f32.msk $0xffff, v6  }
0x101: {  	[tilespmem:s0+$0xDEC0] =	vst.add.f32.msk $0xffff, v2  }
0x102: {  	[tilespmem:s0+$0xDED0] =	vst.add.f32.msk $0xffff, v1  }
0x103: {  	[tilespmem:s0+$0xDEE0] =	vst.add.f32.msk $0xffff, v0  }
0x104: {  	[tilespmem:s0+$0xDEF0] =	vst.add.f32.msk $0xffff, v7  }
0x105: {  	[tilespmem:s0+$0xDF00] =	vst.add.f32.msk $0xffff, v3  }
0x106: {  	[tilespmem:s0+$0xDF10] =	vst.add.f32.msk $0xffff, v4  }
.Ltmp3:
0x107: {  	[tilespmem:s0+$0xDF20] =	vst.add.f32.msk $0xffff, v5;
	(pc) =	sbr.rel @p1 .LBB2_9-.Ltmp3, $4  }
0x108: {  	[tilespmem:s0+$0xDF30] =	vst.add.f32.msk $0xffff, v6  }
0x109: {  	[tilespmem:s0+$0xDF40] =	vst.add.f32.msk $0xffff, v2  }
0x10a: {  	[tilespmem:s0+$0xDF50] =	vst.add.f32.msk $0xffff, v1  }
0x10b: {  	[tilespmem:s0+$0xDF60] =	vst.add.f32.msk $0xffff, v0;
	s0 =	sshra.s32 s23, $0x2;
	s23 =	sadd.s32 $0x400, s23  }
0x10c: {  	[tilespmem:s0+$0xDF70] =	vst.add.f32.msk $0xffff, v7  }
0x10d: {  	[tilespmem:s0+$0xDE80] =	vst.add.f32.msk $0xffff, v3  }
0x10e: {  	[tilespmem:s0+$0xDE90] =	vst.add.f32.msk $0xffff, v4  }
0x10f: {  	[tilespmem:s0+$0xDEA0] =	vst.add.f32.msk $0xffff, v5  }
0x110: {  	[tilespmem:s0+$0xDEB0] =	vst.add.f32.msk $0xffff, v6  }
0x111: {  	[tilespmem:s0+$0xDEC0] =	vst.add.f32.msk $0xffff, v2  }
0x112: {  	[tilespmem:s0+$0xDED0] =	vst.add.f32.msk $0xffff, v1  }
0x113: {  	[tilespmem:s0+$0xDEE0] =	vst.add.f32.msk $0xffff, v0  }
0x114: {  	[tilespmem:s0+$0xDEF0] =	vst.add.f32.msk $0xffff, v7  }
0x115: {  	[tilespmem:s0+$0xDF00] =	vst.add.f32.msk $0xffff, v3  }
0x116: {  	[tilespmem:s0+$0xDF10] =	vst.add.f32.msk $0xffff, v4  }
0x117: {  	[tilespmem:s0+$0xDF20] =	vst.add.f32.msk $0xffff, v5  }
0x118: {  	[tilespmem:s0+$0xDF30] =	vst.add.f32.msk $0xffff, v6;
	s23 =	sshll.u32 s29, $0xB  }
0x119: {  	[tilespmem:s0+$0xDF40] =	vst.add.f32.msk $0xffff, v2;
	s23 =	sand.u32 $0xF800, s23  }
0x11a: {  	[tilespmem:s0+$0xDF50] =	vst.add.f32.msk $0xffff, v1;
	s31 =	sshll.u32 s31, $0x10;
	s23 =	sadd.s32 s4, s23  }
0x11b: {  	[tilespmem:s0+$0xDF60] =	vst.add.f32.msk $0xffff, v0;
	s23 =	sadd.s32 s31, s23  }
0x11c: {  	[hbm4b:s23+s5] =	stream.linear.scatter [tilespmem:s1], [sflag:$0xE], $0x4000, $0x38;
	[tilespmem:$0x15E80] =	vst v63  }
0x11d: {  	_ =	swait.ge [sflag:s13], $0x4000  }
0x11e: {  	[sflag:s13] =	ssyncset.done $0x0  }
0x11f: {  	s0 =	simm.s32 @p0 $0x4;
	[sflag:s13] =	ssyncadd.s32 $0xFFFFC000  }
0x120: {  	_ =	swait.ge @p0 [sflag:s0], $0x80  }
0x121: {  	s29 =	simm.s32 @p0 $0xDE80;
	[sflag:s0] =	ssyncset.done @p0 $0x0  }
0x122: {  	s23 =	simm.s32 @p0 $0x1D80;
	[sflag:s0] =	ssyncadd.s32 @p0 $0xFFFFFF80;
	s0 =	simm.s32 @p0 $0x80  }
0x123: {  	[tilespmem:s29], [sflag:$0x9] =	stream.indirect.gather @p0 [hbm4b:s3+s0], $0x80, s23, s0, $0xb8;
	[tilespmem:$0x15E80] =	vst v63  }
0x124: {  	s0 =	sadd.s32 @p0 $0x480, s25  }
0x125: {  	s23 =	simm.s32 @p0 $0xA;
	s25 =	sand.u32 @p0 $0x7C00, s0  }
0x126: {  	_ =	swait.ge @p0 [sflag:s23], $0x4000;
	s0 =	sand.u32 @p0 $0x380, s0;
	s25 =	sadd.s32 @p0 s6, s25  }
0x127: {  	[sflag:s23] =	ssyncset.done @p0 $0x0;
	s0 =	sor.u32 @p0 s0, s25  }
0x128: {  	[sflag:s23] =	ssyncadd.s32 @p0 $0xFFFFC000;
	s0 =	sshrl.u32 @p0 s0, $0x3  }
0x129: {  	s23 =	simm.s32 @p0 $0x0;
	s25 =	simm.s32 @p0 $0x1E00;
	s0 =	sadd.s32 @p0 s7, s0  }
0x12a: {  	[tilespmem:s25], [sflag:$0x5] =	stream.linear.gather @p0 [hbm4b:s0+s23], $0x80, $0x38;
	[tilespmem:$0x15E80] =	vst v63  }
0x12b: {  	s0 =	simm.s32 @!p0 $0xA  }
0x12c: {  	s19 =	sadd.s32 s19, s17;
	_ =	swait.ge @!p0 [sflag:s0], $0x4000  }
0x12d: {  	s29 =	sshll.u32 s19, $0x2;
	[sflag:s0] =	ssyncset.done @!p0 $0x0  }
0x12e: {  	s31 =	sand.u32 $0x3FFFFF80, s29;
	[sflag:s0] =	ssyncadd.s32 @!p0 $0xFFFFC000  }
0x12f: {  	v3 =	vld [tilespmem:s31+$0x0]  }
0x130: {  	v4 =	vld [tilespmem:s31+$0x10]  }
0x131: {  	v5 =	vld [tilespmem:s31+$0x20]  }
0x132: {  	v7 =	vld [tilespmem:s31+$0x70]  }
0x133: {  	v6 =	vld [tilespmem:s31+$0x30]  }
0x134: {  	v2 =	vld [tilespmem:s31+$0x40]  }
0x135: {  	v1 =	vld [tilespmem:s31+$0x50]  }
0x136: {  	s25 =	sshrl.u32 s19, $0x5;
	s23 =	simm.s32 $0x400;
	s0 =	simm.s32 $0x0;
	v0 =	vld [tilespmem:s31+$0x60]  }
.LBB2_11:
0x137: {  	p0 =	sne.s32 s23, $0xFC00;
	[tilespmem:s0+$0x11F70] =	vst.add.f32.msk $0xffff, v7  }
0x138: {  	[tilespmem:s0+$0x11E80] =	vst.add.f32.msk $0xffff, v3  }
0x139: {  	[tilespmem:s0+$0x11E90] =	vst.add.f32.msk $0xffff, v4  }
0x13a: {  	[tilespmem:s0+$0x11EA0] =	vst.add.f32.msk $0xffff, v5  }
0x13b: {  	[tilespmem:s0+$0x11EB0] =	vst.add.f32.msk $0xffff, v6  }
0x13c: {  	[tilespmem:s0+$0x11EC0] =	vst.add.f32.msk $0xffff, v2  }
0x13d: {  	[tilespmem:s0+$0x11ED0] =	vst.add.f32.msk $0xffff, v1  }
0x13e: {  	[tilespmem:s0+$0x11EE0] =	vst.add.f32.msk $0xffff, v0  }
0x13f: {  	[tilespmem:s0+$0x11EF0] =	vst.add.f32.msk $0xffff, v7  }
0x140: {  	[tilespmem:s0+$0x11F00] =	vst.add.f32.msk $0xffff, v3  }
0x141: {  	[tilespmem:s0+$0x11F10] =	vst.add.f32.msk $0xffff, v4  }
.Ltmp4:
0x142: {  	[tilespmem:s0+$0x11F20] =	vst.add.f32.msk $0xffff, v5;
	(pc) =	sbr.rel @p0 .LBB2_11-.Ltmp4, $4  }
0x143: {  	[tilespmem:s0+$0x11F30] =	vst.add.f32.msk $0xffff, v6  }
0x144: {  	[tilespmem:s0+$0x11F40] =	vst.add.f32.msk $0xffff, v2  }
0x145: {  	[tilespmem:s0+$0x11F50] =	vst.add.f32.msk $0xffff, v1  }
0x146: {  	[tilespmem:s0+$0x11F60] =	vst.add.f32.msk $0xffff, v0;
	s0 =	sshra.s32 s23, $0x2;
	s23 =	sadd.s32 $0x400, s23  }
0x147: {  	[tilespmem:s0+$0x11F70] =	vst.add.f32.msk $0xffff, v7  }
0x148: {  	[tilespmem:s0+$0x11E80] =	vst.add.f32.msk $0xffff, v3  }
0x149: {  	[tilespmem:s0+$0x11E90] =	vst.add.f32.msk $0xffff, v4  }
0x14a: {  	[tilespmem:s0+$0x11EA0] =	vst.add.f32.msk $0xffff, v5  }
0x14b: {  	[tilespmem:s0+$0x11EB0] =	vst.add.f32.msk $0xffff, v6  }
0x14c: {  	[tilespmem:s0+$0x11EC0] =	vst.add.f32.msk $0xffff, v2  }
0x14d: {  	[tilespmem:s0+$0x11ED0] =	vst.add.f32.msk $0xffff, v1  }
0x14e: {  	[tilespmem:s0+$0x11EE0] =	vst.add.f32.msk $0xffff, v0  }
0x14f: {  	[tilespmem:s0+$0x11EF0] =	vst.add.f32.msk $0xffff, v7  }
0x150: {  	[tilespmem:s0+$0x11F00] =	vst.add.f32.msk $0xffff, v3  }
0x151: {  	[tilespmem:s0+$0x11F10] =	vst.add.f32.msk $0xffff, v4;
	s9 =	sadd.s32 $0x1, s9  }
0x152: {  	[tilespmem:s0+$0x11F20] =	vst.add.f32.msk $0xffff, v5;
	p0 =	sne.s32 s9, $0xA  }
.Ltmp5:
0x153: {  	[tilespmem:s0+$0x11F30] =	vst.add.f32.msk $0xffff, v6;
	s19 =	sshll.u32 s19, $0xB;
	(pc) =	sbr.rel @p0 .LBB2_2-.Ltmp5, $4  }
0x154: {  	[tilespmem:s0+$0x11F40] =	vst.add.f32.msk $0xffff, v2;
	s19 =	sand.u32 $0xF800, s19  }
0x155: {  	[tilespmem:s0+$0x11F50] =	vst.add.f32.msk $0xffff, v1;
	s23 =	sshll.u32 s25, $0x10;
	s19 =	sadd.s32 s4, s19  }
0x156: {  	[tilespmem:s0+$0x11F60] =	vst.add.f32.msk $0xffff, v0;
	s31 =	sadd.s32 s23, s19  }
0x157: {  	[hbm4b:s31+s5] =	stream.linear.scatter [tilespmem:s20], [sflag:$0xF], $0x4000, $0x38;
	[tilespmem:$0x15E80] =	vst v63  }
0x158: {  	s9 =	simm.s32 $0xF  }
0x159: {  	_ =	swait.ge [sflag:s9], $0x4000  }
0x15a: {  	s18 =	sadd.s32 $0x1, s18;
	s0 =	rddreg [dreg:$0x9]  }
0x15b: {  	p0 =	sne.s32 s18, s0  }
.Ltmp6:
0x15c: {  	_ = 	snop;
	(pc) =	sbr.rel @p0 .LBB2_1-.Ltmp6, $3  }
0x15d: {  	_ =	sdelay $0x1  }
0x15e: {  	[sflag:s9] =	ssyncset.done $0x0  }
0x15f: {  	[sflag:s9] =	ssyncadd.s32 $0xFFFFC000  }
0x160: {  	_ =	sfence.sel $0x180000  }
0x161: {  	[bflag:$0x0] =	sbarrier.arrive $0xFFFF  }
0x162: {  	_ =	strace $0x90000047  }
0x163: {  	s0 =	stileid.u32;
	[bflag:$0x2] =	sbarrier.arrive $0xFFFF  }
0x164: {  	p0 =	sne.s32 s0, $0x0;
	s0 =	rddreg [dreg:$0x3]  }
0x165: {  	s0 =	sadd.s32 @!p0 $0x100000, s0  }
0x166: {  	[sflag:s0] =	ssyncadd.tile.s32 @!p0 $0x1;
	_ =	shalt  }
.Lfunc_end2:
_tile_overlayer_lowered:
.L_overlay_start_2:
0x167: {  	(tag) =	ssettag $0x2  }
0x168: {  	s0 =	rddreg [dreg:$0x0];
	s2 =	stileid.u32  }
0x169: {  	s1 =	rddreg [dreg:$0x1];
	p0 =	sne.s32 s2, $0x0  }
0x16a: {  	s3 =	rddreg [dreg:$0x2];
	[bflag:$0x3] =	sbarrier.arrive $0xFFFF;
	s2 =	simm.s32 @!p0 $0x1C10  }
0x16b: {  	[timem:s3], [sflag:s2] =	dma.local @!p0 [hbm:s0], s1  }
0x16c: {  	s0 =	simm.s32 @!p0 $0x10  }
0x16d: {  	_ =	swait.ge @!p0 [sflag:s0], s1  }
0x16e: {  	s1 =	ssub.s32 @!p0 $0x0, s1;
	[sflag:s0] =	ssyncset.done @!p0 $0x0  }
0x16f: {  	[sflag:s0] =	ssyncadd.s32 @!p0 s1  }
0x170: {  	[bflag:$0x3] =	sbarrier.arrive $0xFFFF  }
0x171: {  	_ =	shalt  }

</sc_bundles>
